<compile_context>
chip_gen: v7x
topology: tpu7x:2x2x1
jax: 0.10.2.dev20260603
libtpu: 0.0.44.dev20260713+nightly
codegen_flags: <defaults>
</compile_context>

<pallas_src>
import functools

import jax
import jax.numpy as jnp
from jax import lax
from jax.experimental import pallas as pl
from jax.experimental.pallas import tpu as pltpu
from jax.experimental.pallas import tpu_sc as plsc

NC = 2
NS = 16
C = 125


def _mesh():
    return plsc.VectorSubcoreMesh(
        core_axis_name="c", subcore_axis_name="s", num_cores=NC, num_subcores=NS
    )


def _deg_call(srcr, dstr, zpad, n_nodes, npad):
    rows = srcr.shape[0]
    rpw = rows // (NC * NS)
    G = 16
    assert rpw % G == 0

    @functools.partial(
        pl.kernel,
        out_type=jax.ShapeDtypeStruct((NC * 2 * npad,), jnp.float32),
        mesh=_mesh(),
        scratch_types=[
            pltpu.VMEM((G, C), jnp.int32),
            pltpu.VMEM((G, C), jnp.int32),
            pltpu.VMEM((128,), jnp.float32),
            pltpu.VMEM_SHARED((npad,), jnp.float32),
            pltpu.VMEM_SHARED((npad,), jnp.float32),
        ],
    )
    def deg_kernel(src_hbm, dst_hbm, z_hbm, out_hbm, idxs, idxd, ones, acc_s, acc_d):
        c = lax.axis_index("c")
        s = lax.axis_index("s")
        w = s * NC + c
        for k in range(8):
            ones[pl.ds(k * 16, 16)] = jnp.ones((16,), jnp.float32)
        zlen = npad // NS
        pltpu.sync_copy(z_hbm.at[pl.ds(0, zlen)], acc_s.at[pl.ds(s * zlen, zlen)])
        pltpu.sync_copy(z_hbm.at[pl.ds(0, zlen)], acc_d.at[pl.ds(s * zlen, zlen)])
        plsc.subcore_barrier()

        def group(g, carry):
            pltpu.sync_copy(src_hbm.at[pl.ds(w * rpw + g * G, G)], idxs)
            pltpu.sync_copy(dst_hbm.at[pl.ds(w * rpw + g * G, G)], idxd)

            def body(j, carry2):
                pltpu.sync_copy(ones.at[pl.ds(0, C)], acc_s.at[idxs.at[j]], add=True)
                pltpu.sync_copy(ones.at[pl.ds(0, C)], acc_d.at[idxd.at[j]], add=True)
                return carry2

            return lax.fori_loop(0, G, body, carry)

        lax.fori_loop(0, rpw // G, group, 0)
        plsc.subcore_barrier()

        @pl.when(s < 8)
        def _():
            span = npad // 8
            pltpu.sync_copy(
                acc_s.at[pl.ds(s * span, span)],
                out_hbm.at[pl.ds(c * 2 * npad + s * span, span)],
            )
            pltpu.sync_copy(
                acc_d.at[pl.ds(s * span, span)],
                out_hbm.at[pl.ds(c * 2 * npad + npad + s * span, span)],
            )

    return deg_kernel(srcr, dstr, zpad)


def _mp_call(x_hbm, srcr, dstr, z_hbm, n_nodes, npad, split_cols):
    rows = dstr.shape[0]
    rpw = rows // NS if split_cols else rows // (NC * NS)
    rpn = npad // NS
    G = 16
    assert rpw % G == 0

    @functools.partial(
        pl.kernel,
        out_type=jax.ShapeDtypeStruct((NC * npad, 128), jnp.float32),
        mesh=_mesh(),
        scratch_types=[
            pltpu.VMEM((G, C), jnp.int32),
            pltpu.VMEM((G, C), jnp.int32),
            pltpu.VMEM((C, 128), jnp.float32),
            pltpu.SemaphoreType.DMA,
            pltpu.VMEM_SHARED((npad, 128), jnp.float32),
        ],
    )
    def mp_kernel(xt, src_hbm, dst_hbm, z, out_hbm, idxs, idxd, buf, sem, acc):
        c = lax.axis_index("c")
        s = lax.axis_index("s")
        pltpu.sync_copy(z.at[pl.ds(s * rpn, rpn), :], acc.at[pl.ds(s * rpn, rpn), :])
        plsc.subcore_barrier()
        if split_cols:
            base = c * rows + s * rpw
        else:
            base = (s * NC + c) * rpw
        dbase = s * rpw if split_cols else base

        def group(g, carry):
            pltpu.sync_copy(src_hbm.at[pl.ds(base + g * G, G)], idxs)
            pltpu.sync_copy(dst_hbm.at[pl.ds(dbase + g * G, G)], idxd)

            def body(j, carry2):
                pltpu.async_copy(xt.at[idxs.at[j]], buf, sem).wait()
                pltpu.sync_copy(buf, acc.at[idxd.at[j]], add=True)
                return carry2

            return lax.fori_loop(0, G, body, carry)

        lax.fori_loop(0, rpw // G, group, 0)
        plsc.subcore_barrier()
        pltpu.sync_copy(
            acc.at[pl.ds(s * rpn, rpn), :],
            out_hbm.at[pl.ds(c * npad + s * rpn, rpn), :],
        )

    return mp_kernel(x_hbm, srcr, dstr, z_hbm)


def _prep_call(x, deg4, n, npad):
    def body(x_ref, d_ref, xs_ref, ns_ref, nd_ref):
        d = d_ref[...]
        ds_sum = d[0, 0] + d[1, 0]
        dd_sum = d[0, 1] + d[1, 1]
        ns = lax.rsqrt(jnp.clip(ds_sum, 1.0, None))[:n]
        nd = lax.rsqrt(jnp.clip(dd_sum, 1.0, None))[:n]
        ns_ref[...] = ns
        nd_ref[...] = nd
        xs_ref[...] = x_ref[...] * ns

    return pl.pallas_call(
        body,
        out_shape=(
            jax.ShapeDtypeStruct((n, 128), jnp.float32),
            jax.ShapeDtypeStruct((n, 1), jnp.float32),
            jax.ShapeDtypeStruct((n, 1), jnp.float32),
        ),
    )(x, deg4)


def _mm1_call(p1, w1, b1, ns, nd, n):
    bm = 2000

    def body(p_ref, w_ref, b_ref, nd_ref, ns_ref, o_ref):
        p = p_ref[...]
        agg = (p[0] + p[1]) * nd_ref[...]
        h = jnp.dot(agg, w_ref[...], preferred_element_type=jnp.float32)
        h = jnp.maximum(h + b_ref[...], 0.0) * ns_ref[...]
        o_ref[...] = h[None]

    grid = (n // bm, 2)
    return pl.pallas_call(
        body,
        grid=grid,
        in_specs=[
            pl.BlockSpec((2, bm, 128), lambda i, j: (0, i, 0)),
            pl.BlockSpec((128, 128), lambda i, j: (0, j)),
            pl.BlockSpec((1, 128), lambda i, j: (0, j)),
            pl.BlockSpec((bm, 1), lambda i, j: (i, 0)),
            pl.BlockSpec((bm, 1), lambda i, j: (i, 0)),
        ],
        out_specs=pl.BlockSpec((1, bm, 128), lambda i, j: (j, i, 0)),
        out_shape=jax.ShapeDtypeStruct((2, n, 128), jnp.float32),
    )(p1, w1, b1, nd, ns)


def _mm2_call(p2, w2, b2, w3, ns, nd, n):
    bm = 2000

    def body(p_ref, w2_ref, b2_ref, w3_ref, nd_ref, ns_ref, o_ref):
        p = p_ref[...]
        agg = jnp.concatenate([p[0], p[1]], axis=1) * nd_ref[...]
        h = jnp.dot(agg, w2_ref[...], preferred_element_type=jnp.float32)
        h = jnp.maximum(h + b2_ref[...], 0.0) * ns_ref[...]
        o_ref[...] = jnp.dot(h, w3_ref[...], preferred_element_type=jnp.float32)

    return pl.pallas_call(
        body,
        grid=(n // bm,),
        in_specs=[
            pl.BlockSpec((2, bm, 128), lambda i: (0, i, 0)),
            pl.BlockSpec((256, 256), lambda i: (0, 0)),
            pl.BlockSpec((1, 256), lambda i: (0, 0)),
            pl.BlockSpec((256, 128), lambda i: (0, 0)),
            pl.BlockSpec((bm, 1), lambda i: (i, 0)),
            pl.BlockSpec((bm, 1), lambda i: (i, 0)),
        ],
        out_specs=pl.BlockSpec((bm, 128), lambda i: (i, 0)),
        out_shape=jax.ShapeDtypeStruct((n, 128), jnp.float32),
    )(p2, w2, b2, w3, nd, ns)


def _out_call(p3, b3, nd, n):
    bm = 2000

    def body(p_ref, b_ref, nd_ref, o_ref):
        p = p_ref[...]
        o_ref[...] = (p[0] + p[1]) * nd_ref[...] + b_ref[...]

    return pl.pallas_call(
        body,
        grid=(n // bm,),
        in_specs=[
            pl.BlockSpec((2, bm, 128), lambda i: (0, i, 0)),
            pl.BlockSpec((1, 128), lambda i: (0, 0)),
            pl.BlockSpec((bm, 1), lambda i: (i, 0)),
        ],
        out_specs=pl.BlockSpec((bm, 128), lambda i: (i, 0)),
        out_shape=jax.ShapeDtypeStruct((n, 128), jnp.float32),
    )(p3, b3, nd)


def kernel(input_features, edge_index, W1, b1, W2, b2, W3, b3):
    n, d_in = input_features.shape
    e = edge_index.shape[1]
    npad = ((n + 255) // 256) * 256

    src = edge_index[0]
    dst = edge_index[1]
    srcr = src.reshape(e // C, C)
    dstr = dst.reshape(e // C, C)
    srcoff = jnp.concatenate([src, src + n]).reshape(2 * (e // C), C)
    zpad = jnp.zeros((npad,), jnp.float32)
    ztab = jnp.zeros((npad, 128), jnp.float32)
    b1r = b1.reshape(1, -1)
    b2r = b2.reshape(1, -1)
    b3r = b3.reshape(1, -1)

    degp = _deg_call(srcr, dstr, zpad, n, npad).reshape(2, 2, npad, 1)
    x1s, ns, nd = _prep_call(input_features, degp, n, npad)

    p1 = _mp_call(x1s, srcr, dstr, ztab, n, npad, split_cols=False)
    p1 = p1.reshape(2, npad, 128)[:, :n]
    x2 = _mm1_call(p1, W1, b1r, ns, nd, n).reshape(2 * n, 128)

    p2 = _mp_call(x2, srcoff, dstr, ztab, n, npad, split_cols=True)
    p2 = p2.reshape(2, npad, 128)[:, :n]
    x3 = _mm2_call(p2, W2, b2r, W3, ns, nd, n)

    p3 = _mp_call(x3, srcr, dstr, ztab, n, npad, split_cols=False)
    p3 = p3.reshape(2, npad, 128)[:, :n]
    return _out_call(p3, b3r, nd, n)

# --- scband reference (transcript-rebuilt; emitter-appended) ---
"""Pipeline reference for scband-multilayer-gcn-69784628625470 (READ-ONLY COPY).

The authoritative reference and input builder live on the scoring server;
editing this copy changes nothing except your own understanding.
"""

import jax, jax.numpy as jnp
import numpy as np

N = 10000
E = 320000
D_IN = 128
H1 = 256
H2 = 256
D_OUT = 128


def setup_inputs(seed: int = 0) -> dict:
    key = jax.random.key(seed)
    ks = jax.random.split(key, 9)
    x = jax.random.normal(ks[0], (N, D_IN), dtype=jnp.float32)
    edge_index = jax.random.randint(ks[1], (2, E), 0, N, dtype=jnp.int32)
    W1 = jax.random.normal(ks[2], (D_IN, H1), dtype=jnp.float32) * (1.0 / np.sqrt(D_IN))
    b1 = jnp.zeros((H1,), dtype=jnp.float32)
    W2 = jax.random.normal(ks[3], (H1, H2), dtype=jnp.float32) * (1.0 / np.sqrt(H1))
    b2 = jnp.zeros((H2,), dtype=jnp.float32)
    W3 = jax.random.normal(ks[4], (H2, D_OUT), dtype=jnp.float32) * (1.0 / np.sqrt(H2))
    b3 = jnp.zeros((D_OUT,), dtype=jnp.float32)
    return {"input_features": x, "edge_index": edge_index, "W1": W1, "b1": b1, "W2": W2, "b2": b2, "W3": W3, "b3": b3}


def _gcn_conv(x, src, dst, W, b):
    # DGL GraphConv with norm='both': h_i = (sum_j d_out(j)^{-1/2} x_j) * d_in(i)^{-1/2} W + b
    ones = jnp.ones((src.shape[0],), dtype=x.dtype)
    deg_out = jax.ops.segment_sum(ones, src, num_segments=N)
    deg_in = jax.ops.segment_sum(ones, dst, num_segments=N)
    norm_src = jax.lax.rsqrt(jnp.clip(deg_out, 1.0, None))
    norm_dst = jax.lax.rsqrt(jnp.clip(deg_in, 1.0, None))
    h = x * norm_src[:, None]
    m = jnp.take(h, src, axis=0)
    agg = jax.ops.segment_sum(m, dst, num_segments=N)
    agg = agg * norm_dst[:, None]
    return agg @ W + b


def reference(input_features, edge_index, W1, b1, W2, b2, W3, b3):
    src = edge_index[0]
    dst = edge_index[1]
    h = jax.nn.relu(_gcn_conv(input_features, src, dst, W1, b1))
    h = jax.nn.relu(_gcn_conv(h, src, dst, W2, b2))
    out = _gcn_conv(h, src, dst, W3, b3)
    return out

if __name__ == "__main__":
    import jax
    _d = setup_inputs()
    print(jax.jit(kernel)(*tuple(_d.values())))

</pallas_src>

<mosaic_0001>
#map = affine_map<(d0, d1) -> (0, 0)>
#map1 = affine_map<(d0, d1) -> (0)>
module attributes {stable_mosaic.version = 14 : i64} {
  func.func @deg_kernel(%arg0: i32, %arg1: i32, %arg2: memref<2560x125xi32, #tpu.memory_space<hbm>>, %arg3: memref<2560x125xi32, #tpu.memory_space<hbm>>, %arg4: memref<10240xf32, #tpu.memory_space<hbm>>, %arg5: memref<40960xf32, #tpu.memory_space<hbm>>, %arg6: memref<16x125xi32, #tpu.memory_space<vmem>>, %arg7: memref<16x125xi32, #tpu.memory_space<vmem>>, %arg8: memref<128xf32, #tpu.memory_space<vmem>>, %arg9: memref<10240xf32, #tpu.memory_space<vmem_shared>>, %arg10: memref<10240xf32, #tpu.memory_space<vmem_shared>>) attributes {dimension_semantics = [#tpu.dimension_semantics<core_parallel>, #tpu.dimension_semantics<subcore_parallel>], iteration_bounds = array<i64: 2, 16>, scalar_prefetch = 0 : i64, scratch_operands = 5 : i64, tpu.core_type = #tpu.core_type<sc_vector_subcore>, window_params = [{transform_indices = #map}, {transform_indices = #map}, {transform_indices = #map1}, {transform_indices = #map1}]} {
    %mul3A = arith.constant 2 : i32
    %mul3A_0 = arith.muli %arg1, %mul3A : i32
    %add3A = arith.addi %mul3A_0, %arg0 : i32
    %broadcast_in_dim3A = arith.constant 1.000000e+00 : f32
    %broadcast_in_dim3A_1 = vector.broadcast %broadcast_in_dim3A : f32 to vector<16xf32>
    %swap3A = arith.constant 0 : index
    %swap3A_2 = tpu.vector_load %arg8[%swap3A] {strides = array<i32>} : memref<128xf32, #tpu.memory_space<vmem>>, vector<16xf32>,
    %swap3A_3 = vector.shape_cast %swap3A_2 : vector<16xf32> to vector<16xf32>
    %swap3A_4 = vector.shape_cast %broadcast_in_dim3A_1 : vector<16xf32> to vector<16xf32>
    tpu.vector_store %arg8[%swap3A], %swap3A_4 {strides = array<i32>} : memref<128xf32, #tpu.memory_space<vmem>>, vector<16xf32>,
    %broadcast_in_dim3A_5 = arith.constant 1.000000e+00 : f32
    %broadcast_in_dim3A_6 = vector.broadcast %broadcast_in_dim3A_5 : f32 to vector<16xf32>
    %swap3A_7 = arith.constant 16 : index
    %swap3A_8 = tpu.vector_load %arg8[%swap3A_7] {strides = array<i32>} : memref<128xf32, #tpu.memory_space<vmem>>, vector<16xf32>,
    %swap3A_9 = vector.shape_cast %swap3A_8 : vector<16xf32> to vector<16xf32>
    %swap3A_10 = vector.shape_cast %broadcast_in_dim3A_6 : vector<16xf32> to vector<16xf32>
    tpu.vector_store %arg8[%swap3A_7], %swap3A_10 {strides = array<i32>} : memref<128xf32, #tpu.memory_space<vmem>>, vector<16xf32>,
    %broadcast_in_dim3A_11 = arith.constant 1.000000e+00 : f32
    %broadcast_in_dim3A_12 = vector.broadcast %broadcast_in_dim3A_11 : f32 to vector<16xf32>
    %swap3A_13 = arith.constant 32 : index
    %swap3A_14 = tpu.vector_load %arg8[%swap3A_13] {strides = array<i32>} : memref<128xf32, #tpu.memory_space<vmem>>, vector<16xf32>,
    %swap3A_15 = vector.shape_cast %swap3A_14 : vector<16xf32> to vector<16xf32>
    %swap3A_16 = vector.shape_cast %broadcast_in_dim3A_12 : vector<16xf32> to vector<16xf32>
    tpu.vector_store %arg8[%swap3A_13], %swap3A_16 {strides = array<i32>} : memref<128xf32, #tpu.memory_space<vmem>>, vector<16xf32>,
    %broadcast_in_dim3A_17 = arith.constant 1.000000e+00 : f32
    %broadcast_in_dim3A_18 = vector.broadcast %broadcast_in_dim3A_17 : f32 to vector<16xf32>
    %swap3A_19 = arith.constant 48 : index
    %swap3A_20 = tpu.vector_load %arg8[%swap3A_19] {strides = array<i32>} : memref<128xf32, #tpu.memory_space<vmem>>, vector<16xf32>,
    %swap3A_21 = vector.shape_cast %swap3A_20 : vector<16xf32> to vector<16xf32>
    %swap3A_22 = vector.shape_cast %broadcast_in_dim3A_18 : vector<16xf32> to vector<16xf32>
    tpu.vector_store %arg8[%swap3A_19], %swap3A_22 {strides = array<i32>} : memref<128xf32, #tpu.memory_space<vmem>>, vector<16xf32>,
    %broadcast_in_dim3A_23 = arith.constant 1.000000e+00 : f32
    %broadcast_in_dim3A_24 = vector.broadcast %broadcast_in_dim3A_23 : f32 to vector<16xf32>
    %swap3A_25 = arith.constant 64 : index
    %swap3A_26 = tpu.vector_load %arg8[%swap3A_25] {strides = array<i32>} : memref<128xf32, #tpu.memory_space<vmem>>, vector<16xf32>,
    %swap3A_27 = vector.shape_cast %swap3A_26 : vector<16xf32> to vector<16xf32>
    %swap3A_28 = vector.shape_cast %broadcast_in_dim3A_24 : vector<16xf32> to vector<16xf32>
    tpu.vector_store %arg8[%swap3A_25], %swap3A_28 {strides = array<i32>} : memref<128xf32, #tpu.memory_space<vmem>>, vector<16xf32>,
    %broadcast_in_dim3A_29 = arith.constant 1.000000e+00 : f32
    %broadcast_in_dim3A_30 = vector.broadcast %broadcast_in_dim3A_29 : f32 to vector<16xf32>
    %swap3A_31 = arith.constant 80 : index
    %swap3A_32 = tpu.vector_load %arg8[%swap3A_31] {strides = array<i32>} : memref<128xf32, #tpu.memory_space<vmem>>, vector<16xf32>,
    %swap3A_33 = vector.shape_cast %swap3A_32 : vector<16xf32> to vector<16xf32>
    %swap3A_34 = vector.shape_cast %broadcast_in_dim3A_30 : vector<16xf32> to vector<16xf32>
    tpu.vector_store %arg8[%swap3A_31], %swap3A_34 {strides = array<i32>} : memref<128xf32, #tpu.memory_space<vmem>>, vector<16xf32>,
    %broadcast_in_dim3A_35 = arith.constant 1.000000e+00 : f32
    %broadcast_in_dim3A_36 = vector.broadcast %broadcast_in_dim3A_35 : f32 to vector<16xf32>
    %swap3A_37 = arith.constant 96 : index
    %swap3A_38 = tpu.vector_load %arg8[%swap3A_37] {strides = array<i32>} : memref<128xf32, #tpu.memory_space<vmem>>, vector<16xf32>,
    %swap3A_39 = vector.shape_cast %swap3A_38 : vector<16xf32> to vector<16xf32>
    %swap3A_40 = vector.shape_cast %broadcast_in_dim3A_36 : vector<16xf32> to vector<16xf32>
    tpu.vector_store %arg8[%swap3A_37], %swap3A_40 {strides = array<i32>} : memref<128xf32, #tpu.memory_space<vmem>>, vector<16xf32>,
    %broadcast_in_dim3A_41 = arith.constant 1.000000e+00 : f32
    %broadcast_in_dim3A_42 = vector.broadcast %broadcast_in_dim3A_41 : f32 to vector<16xf32>
    %swap3A_43 = arith.constant 112 : index
    %swap3A_44 = tpu.vector_load %arg8[%swap3A_43] {strides = array<i32>} : memref<128xf32, #tpu.memory_space<vmem>>, vector<16xf32>,
    %swap3A_45 = vector.shape_cast %swap3A_44 : vector<16xf32> to vector<16xf32>
    %swap3A_46 = vector.shape_cast %broadcast_in_dim3A_42 : vector<16xf32> to vector<16xf32>
    tpu.vector_store %arg8[%swap3A_43], %swap3A_46 {strides = array<i32>} : memref<128xf32, #tpu.memory_space<vmem>>, vector<16xf32>,
    %mul3A_47 = arith.constant 640 : i32
    %mul3A_48 = arith.muli %arg1, %mul3A_47 : i32
    "tpu.region"() ({
      %run_scoped3A = tpu.sem_alloc : memref<!tpu.dma_semaphore, #tpu.memory_space<semaphore_mem>>
      %dma_start3A = tpu.memref_slice %arg9[%mul3A_48] : memref<10240xf32, #tpu.memory_space<vmem_shared>> -> memref<640xf32, #tpu.memory_space<vmem_shared>>
      %dma_start3A_59 = arith.constant 0 : i32
      %dma_start3A_60 = tpu.memref_slice %arg4[%dma_start3A_59] : memref<10240xf32, #tpu.memory_space<hbm>> -> memref<640xf32, #tpu.memory_space<hbm>>
      tpu.enqueue_dma source(%dma_start3A_60 : memref<640xf32, #tpu.memory_space<hbm>>) target(%dma_start3A : memref<640xf32, #tpu.memory_space<vmem_shared>>) target_semaphore(%run_scoped3A : memref<!tpu.dma_semaphore, #tpu.memory_space<semaphore_mem>>)
      %dma_wait3A = tpu.memref_slice %arg9[%mul3A_48] : memref<10240xf32, #tpu.memory_space<vmem_shared>> -> memref<640xf32, #tpu.memory_space<vmem_shared>>
      %dma_wait3A_61 = arith.constant 0 : i32
      %dma_wait3A_62 = tpu.memref_slice %arg4[%dma_wait3A_61] : memref<10240xf32, #tpu.memory_space<hbm>> -> memref<640xf32, #tpu.memory_space<hbm>>
      tpu.wait_dma2 semaphore(%run_scoped3A : memref<!tpu.dma_semaphore, #tpu.memory_space<semaphore_mem>>) src(%dma_wait3A_62 : memref<640xf32, #tpu.memory_space<hbm>>) dst(%dma_wait3A : memref<640xf32, #tpu.memory_space<vmem_shared>>)
      tpu.yield
    }) : () -> ()
    %mul3A_49 = arith.constant 640 : i32
    %mul3A_50 = arith.muli %arg1, %mul3A_49 : i32
    "tpu.region"() ({
      %run_scoped3A = tpu.sem_alloc : memref<!tpu.dma_semaphore, #tpu.memory_space<semaphore_mem>>
      %dma_start3A = tpu.memref_slice %arg10[%mul3A_50] : memref<10240xf32, #tpu.memory_space<vmem_shared>> -> memref<640xf32, #tpu.memory_space<vmem_shared>>
      %dma_start3A_59 = arith.constant 0 : i32
      %dma_start3A_60 = tpu.memref_slice %arg4[%dma_start3A_59] : memref<10240xf32, #tpu.memory_space<hbm>> -> memref<640xf32, #tpu.memory_space<hbm>>
      tpu.enqueue_dma source(%dma_start3A_60 : memref<640xf32, #tpu.memory_space<hbm>>) target(%dma_start3A : memref<640xf32, #tpu.memory_space<vmem_shared>>) target_semaphore(%run_scoped3A : memref<!tpu.dma_semaphore, #tpu.memory_space<semaphore_mem>>)
      %dma_wait3A = tpu.memref_slice %arg10[%mul3A_50] : memref<10240xf32, #tpu.memory_space<vmem_shared>> -> memref<640xf32, #tpu.memory_space<vmem_shared>>
      %dma_wait3A_61 = arith.constant 0 : i32
      %dma_wait3A_62 = tpu.memref_slice %arg4[%dma_wait3A_61] : memref<10240xf32, #tpu.memory_space<hbm>> -> memref<640xf32, #tpu.memory_space<hbm>>
      tpu.wait_dma2 semaphore(%run_scoped3A : memref<!tpu.dma_semaphore, #tpu.memory_space<semaphore_mem>>) src(%dma_wait3A_62 : memref<640xf32, #tpu.memory_space<hbm>>) dst(%dma_wait3A : memref<640xf32, #tpu.memory_space<vmem_shared>>)
      tpu.yield
    }) : () -> ()
    %barrier3A = arith.constant 0 : index
    tpu.barrier barrier_id(%barrier3A)
    %scan3A = arith.constant 0 : i32
    %scan3A_51 = arith.constant 0 : i32
    %scan3A_52 = arith.constant 5 : i32
    %scan3A_53 = arith.addi %scan3A_51, %scan3A_52 : i32
    %scan3A_54 = arith.constant 1 : i32
    scf.for %scan3A_59 = %scan3A_51 to %scan3A_53 step %scan3A_54  : i32 {
      %mul3A_60 = arith.constant 80 : i32
      %mul3A_61 = arith.muli %add3A, %mul3A_60 : i32
      %mul3A_62 = arith.constant 16 : i32
      %mul3A_63 = arith.muli %scan3A_59, %mul3A_62 : i32
      %add3A_64 = arith.addi %mul3A_61, %mul3A_63 : i32
      "tpu.region"() ({
        %run_scoped3A = tpu.sem_alloc : memref<!tpu.dma_semaphore, #tpu.memory_space<semaphore_mem>>
        %dma_start3A = arith.constant 0 : i32
        %dma_start3A_75 = tpu.memref_slice %arg2[%add3A_64, %dma_start3A] : memref<2560x125xi32, #tpu.memory_space<hbm>> -> memref<16x125xi32, #tpu.memory_space<hbm>>
        %dma_start3A_76 = arith.constant 0 : i32
        %dma_start3A_77 = tpu.memref_slice %arg2[%add3A_64, %dma_start3A_76] : memref<2560x125xi32, #tpu.memory_space<hbm>> -> memref<16x125xi32, #tpu.memory_space<hbm>>
        tpu.enqueue_dma source(%dma_start3A_77 : memref<16x125xi32, #tpu.memory_space<hbm>>) target(%arg6 : memref<16x125xi32, #tpu.memory_space<vmem>>) target_semaphore(%run_scoped3A : memref<!tpu.dma_semaphore, #tpu.memory_space<semaphore_mem>>)
        %dma_wait3A = arith.constant 0 : i32
        %dma_wait3A_78 = tpu.memref_slice %arg2[%add3A_64, %dma_wait3A] : memref<2560x125xi32, #tpu.memory_space<hbm>> -> memref<16x125xi32, #tpu.memory_space<hbm>>
        %dma_wait3A_79 = arith.constant 0 : i32
        %dma_wait3A_80 = tpu.memref_slice %arg2[%add3A_64, %dma_wait3A_79] : memref<2560x125xi32, #tpu.memory_space<hbm>> -> memref<16x125xi32, #tpu.memory_space<hbm>>
        tpu.wait_dma2 semaphore(%run_scoped3A : memref<!tpu.dma_semaphore, #tpu.memory_space<semaphore_mem>>) src(%dma_wait3A_80 : memref<16x125xi32, #tpu.memory_space<hbm>>) dst(%arg6 : memref<16x125xi32, #tpu.memory_space<vmem>>)
        tpu.yield
      }) : () -> ()
      %mul3A_65 = arith.constant 80 : i32
      %mul3A_66 = arith.muli %add3A, %mul3A_65 : i32
      %mul3A_67 = arith.constant 16 : i32
      %mul3A_68 = arith.muli %scan3A_59, %mul3A_67 : i32
      %add3A_69 = arith.addi %mul3A_66, %mul3A_68 : i32
      "tpu.region"() ({
        %run_scoped3A = tpu.sem_alloc : memref<!tpu.dma_semaphore, #tpu.memory_space<semaphore_mem>>
        %dma_start3A = arith.constant 0 : i32
        %dma_start3A_75 = tpu.memref_slice %arg3[%add3A_69, %dma_start3A] : memref<2560x125xi32, #tpu.memory_space<hbm>> -> memref<16x125xi32, #tpu.memory_space<hbm>>
        %dma_start3A_76 = arith.constant 0 : i32
        %dma_start3A_77 = tpu.memref_slice %arg3[%add3A_69, %dma_start3A_76] : memref<2560x125xi32, #tpu.memory_space<hbm>> -> memref<16x125xi32, #tpu.memory_space<hbm>>
        tpu.enqueue_dma source(%dma_start3A_77 : memref<16x125xi32, #tpu.memory_space<hbm>>) target(%arg7 : memref<16x125xi32, #tpu.memory_space<vmem>>) target_semaphore(%run_scoped3A : memref<!tpu.dma_semaphore, #tpu.memory_space<semaphore_mem>>)
        %dma_wait3A = arith.constant 0 : i32
        %dma_wait3A_78 = tpu.memref_slice %arg3[%add3A_69, %dma_wait3A] : memref<2560x125xi32, #tpu.memory_space<hbm>> -> memref<16x125xi32, #tpu.memory_space<hbm>>
        %dma_wait3A_79 = arith.constant 0 : i32
        %dma_wait3A_80 = tpu.memref_slice %arg3[%add3A_69, %dma_wait3A_79] : memref<2560x125xi32, #tpu.memory_space<hbm>> -> memref<16x125xi32, #tpu.memory_space<hbm>>
        tpu.wait_dma2 semaphore(%run_scoped3A : memref<!tpu.dma_semaphore, #tpu.memory_space<semaphore_mem>>) src(%dma_wait3A_80 : memref<16x125xi32, #tpu.memory_space<hbm>>) dst(%arg7 : memref<16x125xi32, #tpu.memory_space<vmem>>)
        tpu.yield
      }) : () -> ()
      %scan3A_70 = arith.constant 0 : i32
      %scan3A_71 = arith.constant 16 : i32
      %scan3A_72 = arith.addi %scan3A_70, %scan3A_71 : i32
      %scan3A_73 = arith.constant 1 : i32
      scf.for %scan3A_75 = %scan3A_70 to %scan3A_72 step %scan3A_73  : i32 {
        "tpu.region"() ({
          %run_scoped3A = tpu.sem_alloc : memref<!tpu.dma_semaphore, #tpu.memory_space<semaphore_mem>>
          %dma_start3A = arith.constant 0 : i32
          %dma_start3A_76 = tpu.memref_slice %arg8[%dma_start3A] : memref<128xf32, #tpu.memory_space<vmem>> -> memref<125xf32, #tpu.memory_space<vmem>>
          %dma_start3A_77 = arith.constant 0 : i32
          %dma_start3A_78 = tpu.memref_slice %arg6[%scan3A_75, %dma_start3A_77] : memref<16x125xi32, #tpu.memory_space<vmem>> -> memref<1x125xi32, #tpu.memory_space<vmem>>
          %dma_start3A_79 = tpu.memref_squeeze %dma_start3A_78 : memref<1x125xi32, #tpu.memory_space<vmem>> -> memref<125xi32, #tpu.memory_space<vmem>>
          %dma_start3A_80 = arith.constant 0 : i32
          %dma_start3A_81 = tpu.memref_slice %arg9[%dma_start3A_80] : memref<10240xf32, #tpu.memory_space<vmem_shared>> -> memref<10240xf32, #tpu.memory_space<vmem_shared>>
          tpu.enqueue_indirect_dma source(%dma_start3A_76 : memref<125xf32, #tpu.memory_space<vmem>>) target(%dma_start3A_81 : memref<10240xf32, #tpu.memory_space<vmem_shared>>) offsets(%dma_start3A_79 : memref<125xi32, #tpu.memory_space<vmem>>) semaphore(%run_scoped3A : memref<!tpu.dma_semaphore, #tpu.memory_space<semaphore_mem>>) {add = true}
          %dma_wait3A = arith.constant 0 : i32
          %dma_wait3A_82 = tpu.memref_slice %arg8[%dma_wait3A] : memref<128xf32, #tpu.memory_space<vmem>> -> memref<125xf32, #tpu.memory_space<vmem>>
          %dma_wait3A_83 = arith.constant 0 : i32
          %dma_wait3A_84 = tpu.memref_slice %arg6[%scan3A_75, %dma_wait3A_83] : memref<16x125xi32, #tpu.memory_space<vmem>> -> memref<1x125xi32, #tpu.memory_space<vmem>>
          %dma_wait3A_85 = tpu.memref_squeeze %dma_wait3A_84 : memref<1x125xi32, #tpu.memory_space<vmem>> -> memref<125xi32, #tpu.memory_space<vmem>>
          %dma_wait3A_86 = arith.constant 0 : i32
          %dma_wait3A_87 = tpu.memref_slice %arg9[%dma_wait3A_86] : memref<10240xf32, #tpu.memory_space<vmem_shared>> -> memref<10240xf32, #tpu.memory_space<vmem_shared>>
          tpu.wait_indirect_dma semaphore(%run_scoped3A : memref<!tpu.dma_semaphore, #tpu.memory_space<semaphore_mem>>) src(%dma_wait3A_82 : memref<125xf32, #tpu.memory_space<vmem>>) dst(%dma_wait3A_87 : memref<10240xf32, #tpu.memory_space<vmem_shared>>)
          tpu.yield
        }) : () -> ()
        "tpu.region"() ({
          %run_scoped3A = tpu.sem_alloc : memref<!tpu.dma_semaphore, #tpu.memory_space<semaphore_mem>>
          %dma_start3A = arith.constant 0 : i32
          %dma_start3A_76 = tpu.memref_slice %arg8[%dma_start3A] : memref<128xf32, #tpu.memory_space<vmem>> -> memref<125xf32, #tpu.memory_space<vmem>>
          %dma_start3A_77 = arith.constant 0 : i32
          %dma_start3A_78 = tpu.memref_slice %arg7[%scan3A_75, %dma_start3A_77] : memref<16x125xi32, #tpu.memory_space<vmem>> -> memref<1x125xi32, #tpu.memory_space<vmem>>
          %dma_start3A_79 = tpu.memref_squeeze %dma_start3A_78 : memref<1x125xi32, #tpu.memory_space<vmem>> -> memref<125xi32, #tpu.memory_space<vmem>>
          %dma_start3A_80 = arith.constant 0 : i32
          %dma_start3A_81 = tpu.memref_slice %arg10[%dma_start3A_80] : memref<10240xf32, #tpu.memory_space<vmem_shared>> -> memref<10240xf32, #tpu.memory_space<vmem_shared>>
          tpu.enqueue_indirect_dma source(%dma_start3A_76 : memref<125xf32, #tpu.memory_space<vmem>>) target(%dma_start3A_81 : memref<10240xf32, #tpu.memory_space<vmem_shared>>) offsets(%dma_start3A_79 : memref<125xi32, #tpu.memory_space<vmem>>) semaphore(%run_scoped3A : memref<!tpu.dma_semaphore, #tpu.memory_space<semaphore_mem>>) {add = true}
          %dma_wait3A = arith.constant 0 : i32
          %dma_wait3A_82 = tpu.memref_slice %arg8[%dma_wait3A] : memref<128xf32, #tpu.memory_space<vmem>> -> memref<125xf32, #tpu.memory_space<vmem>>
          %dma_wait3A_83 = arith.constant 0 : i32
          %dma_wait3A_84 = tpu.memref_slice %arg7[%scan3A_75, %dma_wait3A_83] : memref<16x125xi32, #tpu.memory_space<vmem>> -> memref<1x125xi32, #tpu.memory_space<vmem>>
          %dma_wait3A_85 = tpu.memref_squeeze %dma_wait3A_84 : memref<1x125xi32, #tpu.memory_space<vmem>> -> memref<125xi32, #tpu.memory_space<vmem>>
          %dma_wait3A_86 = arith.constant 0 : i32
          %dma_wait3A_87 = tpu.memref_slice %arg10[%dma_wait3A_86] : memref<10240xf32, #tpu.memory_space<vmem_shared>> -> memref<10240xf32, #tpu.memory_space<vmem_shared>>
          tpu.wait_indirect_dma semaphore(%run_scoped3A : memref<!tpu.dma_semaphore, #tpu.memory_space<semaphore_mem>>) src(%dma_wait3A_82 : memref<125xf32, #tpu.memory_space<vmem>>) dst(%dma_wait3A_87 : memref<10240xf32, #tpu.memory_space<vmem_shared>>)
          tpu.yield
        }) : () -> ()
      }
      %scan3A_74 = arith.constant 16 : i32
    }
    %scan3A_55 = arith.constant 5 : i32
    %barrier3A_56 = arith.constant 0 : index
    tpu.barrier barrier_id(%barrier3A_56)
    %lt3A = arith.constant 8 : i32
    %lt3A_57 = arith.cmpi slt, %arg1, %lt3A : i32
    %convert_element_type3A = arith.extui %lt3A_57 : i1 to i32
    %cond3A = arith.constant 0 : i32
    %cond3A_58 = arith.cmpi ne, %convert_element_type3A, %cond3A : i32
    scf.if %cond3A_58 {
      %mul3A_59 = arith.constant 1280 : i32
      %mul3A_60 = arith.muli %arg1, %mul3A_59 : i32
      %mul3A_61 = arith.constant 2 : i32
      %mul3A_62 = arith.muli %arg0, %mul3A_61 : i32
      %mul3A_63 = arith.constant 10240 : i32
      %mul3A_64 = arith.muli %mul3A_62, %mul3A_63 : i32
      %mul3A_65 = arith.constant 1280 : i32
      %mul3A_66 = arith.muli %arg1, %mul3A_65 : i32
      %add3A_67 = arith.addi %mul3A_64, %mul3A_66 : i32
      "tpu.region"() ({
        %run_scoped3A = tpu.sem_alloc : memref<!tpu.dma_semaphore, #tpu.memory_space<semaphore_mem>>
        %dma_start3A = tpu.memref_slice %arg5[%add3A_67] : memref<40960xf32, #tpu.memory_space<hbm>> -> memref<1280xf32, #tpu.memory_space<hbm>>
        %dma_start3A_79 = tpu.memref_slice %arg9[%mul3A_60] : memref<10240xf32, #tpu.memory_space<vmem_shared>> -> memref<1280xf32, #tpu.memory_space<vmem_shared>>
        tpu.enqueue_dma source(%dma_start3A_79 : memref<1280xf32, #tpu.memory_space<vmem_shared>>) target(%dma_start3A : memref<1280xf32, #tpu.memory_space<hbm>>) target_semaphore(%run_scoped3A : memref<!tpu.dma_semaphore, #tpu.memory_space<semaphore_mem>>)
        %dma_wait3A = tpu.memref_slice %arg5[%add3A_67] : memref<40960xf32, #tpu.memory_space<hbm>> -> memref<1280xf32, #tpu.memory_space<hbm>>
        %dma_wait3A_80 = tpu.memref_slice %arg9[%mul3A_60] : memref<10240xf32, #tpu.memory_space<vmem_shared>> -> memref<1280xf32, #tpu.memory_space<vmem_shared>>
        tpu.wait_dma2 semaphore(%run_scoped3A : memref<!tpu.dma_semaphore, #tpu.memory_space<semaphore_mem>>) src(%dma_wait3A_80 : memref<1280xf32, #tpu.memory_space<vmem_shared>>) dst(%dma_wait3A : memref<1280xf32, #tpu.memory_space<hbm>>)
        tpu.yield
      }) : () -> ()
      %mul3A_68 = arith.constant 1280 : i32
      %mul3A_69 = arith.muli %arg1, %mul3A_68 : i32
      %mul3A_70 = arith.constant 2 : i32
      %mul3A_71 = arith.muli %arg0, %mul3A_70 : i32
      %mul3A_72 = arith.constant 10240 : i32
      %mul3A_73 = arith.muli %mul3A_71, %mul3A_72 : i32
      %add3A_74 = arith.constant 10240 : i32
      %add3A_75 = arith.addi %mul3A_73, %add3A_74 : i32
      %mul3A_76 = arith.constant 1280 : i32
      %mul3A_77 = arith.muli %arg1, %mul3A_76 : i32
      %add3A_78 = arith.addi %add3A_75, %mul3A_77 : i32
      "tpu.region"() ({
        %run_scoped3A = tpu.sem_alloc : memref<!tpu.dma_semaphore, #tpu.memory_space<semaphore_mem>>
        %dma_start3A = tpu.memref_slice %arg5[%add3A_78] : memref<40960xf32, #tpu.memory_space<hbm>> -> memref<1280xf32, #tpu.memory_space<hbm>>
        %dma_start3A_79 = tpu.memref_slice %arg10[%mul3A_69] : memref<10240xf32, #tpu.memory_space<vmem_shared>> -> memref<1280xf32, #tpu.memory_space<vmem_shared>>
        tpu.enqueue_dma source(%dma_start3A_79 : memref<1280xf32, #tpu.memory_space<vmem_shared>>) target(%dma_start3A : memref<1280xf32, #tpu.memory_space<hbm>>) target_semaphore(%run_scoped3A : memref<!tpu.dma_semaphore, #tpu.memory_space<semaphore_mem>>)
        %dma_wait3A = tpu.memref_slice %arg5[%add3A_78] : memref<40960xf32, #tpu.memory_space<hbm>> -> memref<1280xf32, #tpu.memory_space<hbm>>
        %dma_wait3A_80 = tpu.memref_slice %arg10[%mul3A_69] : memref<10240xf32, #tpu.memory_space<vmem_shared>> -> memref<1280xf32, #tpu.memory_space<vmem_shared>>
        tpu.wait_dma2 semaphore(%run_scoped3A : memref<!tpu.dma_semaphore, #tpu.memory_space<semaphore_mem>>) src(%dma_wait3A_80 : memref<1280xf32, #tpu.memory_space<vmem_shared>>) dst(%dma_wait3A : memref<1280xf32, #tpu.memory_space<hbm>>)
        tpu.yield
      }) : () -> ()
    } else {
    }
    return
  }
}

#map = affine_map<(d0, d1) -> (0, 0)>
module attributes {stable_mosaic.version = 14 : i64} {
  func.func @mp_kernel(%arg0: i32, %arg1: i32, %arg2: memref<10000x128xf32, #tpu.memory_space<hbm>>, %arg3: memref<2560x125xi32, #tpu.memory_space<hbm>>, %arg4: memref<2560x125xi32, #tpu.memory_space<hbm>>, %arg5: memref<10240x128xf32, #tpu.memory_space<hbm>>, %arg6: memref<20480x128xf32, #tpu.memory_space<hbm>>, %arg7: memref<16x125xi32, #tpu.memory_space<vmem>>, %arg8: memref<16x125xi32, #tpu.memory_space<vmem>>, %arg9: memref<125x128xf32, #tpu.memory_space<vmem>>, %arg10: memref<!tpu.dma_semaphore, #tpu.memory_space<semaphore_mem>>, %arg11: memref<10240x128xf32, #tpu.memory_space<vmem_shared>>) attributes {dimension_semantics = [#tpu.dimension_semantics<core_parallel>, #tpu.dimension_semantics<subcore_parallel>], iteration_bounds = array<i64: 2, 16>, scalar_prefetch = 0 : i64, scratch_operands = 5 : i64, tpu.core_type = #tpu.core_type<sc_vector_subcore>, window_params = [{transform_indices = #map}, {transform_indices = #map}, {transform_indices = #map}, {transform_indices = #map}, {transform_indices = #map}]} {
    %mul3A = arith.constant 640 : i32
    %mul3A_0 = arith.muli %arg1, %mul3A : i32
    %mul3A_1 = arith.constant 640 : i32
    %mul3A_2 = arith.muli %arg1, %mul3A_1 : i32
    "tpu.region"() ({
      %run_scoped3A = tpu.sem_alloc : memref<!tpu.dma_semaphore, #tpu.memory_space<semaphore_mem>>
      %dma_start3A = arith.constant 0 : i32
      %dma_start3A_20 = tpu.memref_slice %arg11[%mul3A_2, %dma_start3A] : memref<10240x128xf32, #tpu.memory_space<vmem_shared>> -> memref<640x128xf32, #tpu.memory_space<vmem_shared>>
      %dma_start3A_21 = arith.constant 0 : i32
      %dma_start3A_22 = tpu.memref_slice %arg5[%mul3A_0, %dma_start3A_21] : memref<10240x128xf32, #tpu.memory_space<hbm>> -> memref<640x128xf32, #tpu.memory_space<hbm>>
      tpu.enqueue_dma source(%dma_start3A_22 : memref<640x128xf32, #tpu.memory_space<hbm>>) target(%dma_start3A_20 : memref<640x128xf32, #tpu.memory_space<vmem_shared>>) target_semaphore(%run_scoped3A : memref<!tpu.dma_semaphore, #tpu.memory_space<semaphore_mem>>)
      %dma_wait3A = arith.constant 0 : i32
      %dma_wait3A_23 = tpu.memref_slice %arg11[%mul3A_2, %dma_wait3A] : memref<10240x128xf32, #tpu.memory_space<vmem_shared>> -> memref<640x128xf32, #tpu.memory_space<vmem_shared>>
      %dma_wait3A_24 = arith.constant 0 : i32
      %dma_wait3A_25 = tpu.memref_slice %arg5[%mul3A_0, %dma_wait3A_24] : memref<10240x128xf32, #tpu.memory_space<hbm>> -> memref<640x128xf32, #tpu.memory_space<hbm>>
      tpu.wait_dma2 semaphore(%run_scoped3A : memref<!tpu.dma_semaphore, #tpu.memory_space<semaphore_mem>>) src(%dma_wait3A_25 : memref<640x128xf32, #tpu.memory_space<hbm>>) dst(%dma_wait3A_23 : memref<640x128xf32, #tpu.memory_space<vmem_shared>>)
      tpu.yield
    }) : () -> ()
    %barrier3A = arith.constant 0 : index
    tpu.barrier barrier_id(%barrier3A)
    %mul3A_3 = arith.constant 2 : i32
    %mul3A_4 = arith.muli %arg1, %mul3A_3 : i32
    %add3A = arith.addi %mul3A_4, %arg0 : i32
    %mul3A_5 = arith.constant 80 : i32
    %mul3A_6 = arith.muli %add3A, %mul3A_5 : i32
    %scan3A = arith.constant 0 : i32
    %scan3A_7 = arith.constant 0 : i32
    %scan3A_8 = arith.constant 5 : i32
    %scan3A_9 = arith.addi %scan3A_7, %scan3A_8 : i32
    %scan3A_10 = arith.constant 1 : i32
    scf.for %scan3A_20 = %scan3A_7 to %scan3A_9 step %scan3A_10  : i32 {
      %mul3A_21 = arith.constant 16 : i32
      %mul3A_22 = arith.muli %scan3A_20, %mul3A_21 : i32
      %add3A_23 = arith.addi %mul3A_6, %mul3A_22 : i32
      "tpu.region"() ({
        %run_scoped3A = tpu.sem_alloc : memref<!tpu.dma_semaphore, #tpu.memory_space<semaphore_mem>>
        %dma_start3A = arith.constant 0 : i32
        %dma_start3A_32 = tpu.memref_slice %arg3[%add3A_23, %dma_start3A] : memref<2560x125xi32, #tpu.memory_space<hbm>> -> memref<16x125xi32, #tpu.memory_space<hbm>>
        %dma_start3A_33 = arith.constant 0 : i32
        %dma_start3A_34 = tpu.memref_slice %arg3[%add3A_23, %dma_start3A_33] : memref<2560x125xi32, #tpu.memory_space<hbm>> -> memref<16x125xi32, #tpu.memory_space<hbm>>
        tpu.enqueue_dma source(%dma_start3A_34 : memref<16x125xi32, #tpu.memory_space<hbm>>) target(%arg7 : memref<16x125xi32, #tpu.memory_space<vmem>>) target_semaphore(%run_scoped3A : memref<!tpu.dma_semaphore, #tpu.memory_space<semaphore_mem>>)
        %dma_wait3A = arith.constant 0 : i32
        %dma_wait3A_35 = tpu.memref_slice %arg3[%add3A_23, %dma_wait3A] : memref<2560x125xi32, #tpu.memory_space<hbm>> -> memref<16x125xi32, #tpu.memory_space<hbm>>
        %dma_wait3A_36 = arith.constant 0 : i32
        %dma_wait3A_37 = tpu.memref_slice %arg3[%add3A_23, %dma_wait3A_36] : memref<2560x125xi32, #tpu.memory_space<hbm>> -> memref<16x125xi32, #tpu.memory_space<hbm>>
        tpu.wait_dma2 semaphore(%run_scoped3A : memref<!tpu.dma_semaphore, #tpu.memory_space<semaphore_mem>>) src(%dma_wait3A_37 : memref<16x125xi32, #tpu.memory_space<hbm>>) dst(%arg7 : memref<16x125xi32, #tpu.memory_space<vmem>>)
        tpu.yield
      }) : () -> ()
      %mul3A_24 = arith.constant 16 : i32
      %mul3A_25 = arith.muli %scan3A_20, %mul3A_24 : i32
      %add3A_26 = arith.addi %mul3A_6, %mul3A_25 : i32
      "tpu.region"() ({
        %run_scoped3A = tpu.sem_alloc : memref<!tpu.dma_semaphore, #tpu.memory_space<semaphore_mem>>
        %dma_start3A = arith.constant 0 : i32
        %dma_start3A_32 = tpu.memref_slice %arg4[%add3A_26, %dma_start3A] : memref<2560x125xi32, #tpu.memory_space<hbm>> -> memref<16x125xi32, #tpu.memory_space<hbm>>
        %dma_start3A_33 = arith.constant 0 : i32
        %dma_start3A_34 = tpu.memref_slice %arg4[%add3A_26, %dma_start3A_33] : memref<2560x125xi32, #tpu.memory_space<hbm>> -> memref<16x125xi32, #tpu.memory_space<hbm>>
        tpu.enqueue_dma source(%dma_start3A_34 : memref<16x125xi32, #tpu.memory_space<hbm>>) target(%arg8 : memref<16x125xi32, #tpu.memory_space<vmem>>) target_semaphore(%run_scoped3A : memref<!tpu.dma_semaphore, #tpu.memory_space<semaphore_mem>>)
        %dma_wait3A = arith.constant 0 : i32
        %dma_wait3A_35 = tpu.memref_slice %arg4[%add3A_26, %dma_wait3A] : memref<2560x125xi32, #tpu.memory_space<hbm>> -> memref<16x125xi32, #tpu.memory_space<hbm>>
        %dma_wait3A_36 = arith.constant 0 : i32
        %dma_wait3A_37 = tpu.memref_slice %arg4[%add3A_26, %dma_wait3A_36] : memref<2560x125xi32, #tpu.memory_space<hbm>> -> memref<16x125xi32, #tpu.memory_space<hbm>>
        tpu.wait_dma2 semaphore(%run_scoped3A : memref<!tpu.dma_semaphore, #tpu.memory_space<semaphore_mem>>) src(%dma_wait3A_37 : memref<16x125xi32, #tpu.memory_space<hbm>>) dst(%arg8 : memref<16x125xi32, #tpu.memory_space<vmem>>)
        tpu.yield
      }) : () -> ()
      %scan3A_27 = arith.constant 0 : i32
      %scan3A_28 = arith.constant 16 : i32
      %scan3A_29 = arith.addi %scan3A_27, %scan3A_28 : i32
      %scan3A_30 = arith.constant 1 : i32
      scf.for %scan3A_32 = %scan3A_27 to %scan3A_29 step %scan3A_30  : i32 {
        %dma_start3A = arith.constant 0 : i32
        %dma_start3A_33 = tpu.memref_slice %arg7[%scan3A_32, %dma_start3A] : memref<16x125xi32, #tpu.memory_space<vmem>> -> memref<1x125xi32, #tpu.memory_space<vmem>>
        %dma_start3A_34 = tpu.memref_squeeze %dma_start3A_33 : memref<1x125xi32, #tpu.memory_space<vmem>> -> memref<125xi32, #tpu.memory_space<vmem>>
        %dma_start3A_35 = arith.constant 0 : i32
        %dma_start3A_36 = arith.constant 0 : i32
        %dma_start3A_37 = tpu.memref_slice %arg2[%dma_start3A_35, %dma_start3A_36] : memref<10000x128xf32, #tpu.memory_space<hbm>> -> memref<10000x128xf32, #tpu.memory_space<hbm>>
        tpu.enqueue_indirect_dma source(%dma_start3A_37 : memref<10000x128xf32, #tpu.memory_space<hbm>>) target(%arg9 : memref<125x128xf32, #tpu.memory_space<vmem>>) offsets(%dma_start3A_34 : memref<125xi32, #tpu.memory_space<vmem>>) semaphore(%arg10 : memref<!tpu.dma_semaphore, #tpu.memory_space<semaphore_mem>>)
        %dma_wait3A = arith.constant 0 : i32
        %dma_wait3A_38 = tpu.memref_slice %arg7[%scan3A_32, %dma_wait3A] : memref<16x125xi32, #tpu.memory_space<vmem>> -> memref<1x125xi32, #tpu.memory_space<vmem>>
        %dma_wait3A_39 = tpu.memref_squeeze %dma_wait3A_38 : memref<1x125xi32, #tpu.memory_space<vmem>> -> memref<125xi32, #tpu.memory_space<vmem>>
        %dma_wait3A_40 = arith.constant 0 : i32
        %dma_wait3A_41 = arith.constant 0 : i32
        %dma_wait3A_42 = tpu.memref_slice %arg2[%dma_wait3A_40, %dma_wait3A_41] : memref<10000x128xf32, #tpu.memory_space<hbm>> -> memref<10000x128xf32, #tpu.memory_space<hbm>>
        tpu.wait_indirect_dma semaphore(%arg10 : memref<!tpu.dma_semaphore, #tpu.memory_space<semaphore_mem>>) src(%dma_wait3A_42 : memref<10000x128xf32, #tpu.memory_space<hbm>>) dst(%arg9 : memref<125x128xf32, #tpu.memory_space<vmem>>)
        "tpu.region"() ({
          %run_scoped3A = tpu.sem_alloc : memref<!tpu.dma_semaphore, #tpu.memory_space<semaphore_mem>>
          %dma_start3A_43 = arith.constant 0 : i32
          %dma_start3A_44 = tpu.memref_slice %arg8[%scan3A_32, %dma_start3A_43] : memref<16x125xi32, #tpu.memory_space<vmem>> -> memref<1x125xi32, #tpu.memory_space<vmem>>
          %dma_start3A_45 = tpu.memref_squeeze %dma_start3A_44 : memref<1x125xi32, #tpu.memory_space<vmem>> -> memref<125xi32, #tpu.memory_space<vmem>>
          %dma_start3A_46 = arith.constant 0 : i32
          %dma_start3A_47 = arith.constant 0 : i32
          %dma_start3A_48 = tpu.memref_slice %arg11[%dma_start3A_46, %dma_start3A_47] : memref<10240x128xf32, #tpu.memory_space<vmem_shared>> -> memref<10240x128xf32, #tpu.memory_space<vmem_shared>>
          tpu.enqueue_indirect_dma source(%arg9 : memref<125x128xf32, #tpu.memory_space<vmem>>) target(%dma_start3A_48 : memref<10240x128xf32, #tpu.memory_space<vmem_shared>>) offsets(%dma_start3A_45 : memref<125xi32, #tpu.memory_space<vmem>>) semaphore(%run_scoped3A : memref<!tpu.dma_semaphore, #tpu.memory_space<semaphore_mem>>) {add = true}
          %dma_wait3A_49 = arith.constant 0 : i32
          %dma_wait3A_50 = tpu.memref_slice %arg8[%scan3A_32, %dma_wait3A_49] : memref<16x125xi32, #tpu.memory_space<vmem>> -> memref<1x125xi32, #tpu.memory_space<vmem>>
          %dma_wait3A_51 = tpu.memref_squeeze %dma_wait3A_50 : memref<1x125xi32, #tpu.memory_space<vmem>> -> memref<125xi32, #tpu.memory_space<vmem>>
          %dma_wait3A_52 = arith.constant 0 : i32
          %dma_wait3A_53 = arith.constant 0 : i32
          %dma_wait3A_54 = tpu.memref_slice %arg11[%dma_wait3A_52, %dma_wait3A_53] : memref<10240x128xf32, #tpu.memory_space<vmem_shared>> -> memref<10240x128xf32, #tpu.memory_space<vmem_shared>>
          tpu.wait_indirect_dma semaphore(%run_scoped3A : memref<!tpu.dma_semaphore, #tpu.memory_space<semaphore_mem>>) src(%arg9 : memref<125x128xf32, #tpu.memory_space<vmem>>) dst(%dma_wait3A_54 : memref<10240x128xf32, #tpu.memory_space<vmem_shared>>)
          tpu.yield
        }) : () -> ()
      }
      %scan3A_31 = arith.constant 16 : i32
    }
    %scan3A_11 = arith.constant 5 : i32
    %barrier3A_12 = arith.constant 0 : index
    tpu.barrier barrier_id(%barrier3A_12)
    %mul3A_13 = arith.constant 640 : i32
    %mul3A_14 = arith.muli %arg1, %mul3A_13 : i32
    %mul3A_15 = arith.constant 10240 : i32
    %mul3A_16 = arith.muli %arg0, %mul3A_15 : i32
    %mul3A_17 = arith.constant 640 : i32
    %mul3A_18 = arith.muli %arg1, %mul3A_17 : i32
    %add3A_19 = arith.addi %mul3A_16, %mul3A_18 : i32
    "tpu.region"() ({
      %run_scoped3A = tpu.sem_alloc : memref<!tpu.dma_semaphore, #tpu.memory_space<semaphore_mem>>
      %dma_start3A = arith.constant 0 : i32
      %dma_start3A_20 = tpu.memref_slice %arg6[%add3A_19, %dma_start3A] : memref<20480x128xf32, #tpu.memory_space<hbm>> -> memref<640x128xf32, #tpu.memory_space<hbm>>
      %dma_start3A_21 = arith.constant 0 : i32
      %dma_start3A_22 = tpu.memref_slice %arg11[%mul3A_14, %dma_start3A_21] : memref<10240x128xf32, #tpu.memory_space<vmem_shared>> -> memref<640x128xf32, #tpu.memory_space<vmem_shared>>
      tpu.enqueue_dma source(%dma_start3A_22 : memref<640x128xf32, #tpu.memory_space<vmem_shared>>) target(%dma_start3A_20 : memref<640x128xf32, #tpu.memory_space<hbm>>) target_semaphore(%run_scoped3A : memref<!tpu.dma_semaphore, #tpu.memory_space<semaphore_mem>>)
      %dma_wait3A = arith.constant 0 : i32
      %dma_wait3A_23 = tpu.memref_slice %arg6[%add3A_19, %dma_wait3A] : memref<20480x128xf32, #tpu.memory_space<hbm>> -> memref<640x128xf32, #tpu.memory_space<hbm>>
      %dma_wait3A_24 = arith.constant 0 : i32
      %dma_wait3A_25 = tpu.memref_slice %arg11[%mul3A_14, %dma_wait3A_24] : memref<10240x128xf32, #tpu.memory_space<vmem_shared>> -> memref<640x128xf32, #tpu.memory_space<vmem_shared>>
      tpu.wait_dma2 semaphore(%run_scoped3A : memref<!tpu.dma_semaphore, #tpu.memory_space<semaphore_mem>>) src(%dma_wait3A_25 : memref<640x128xf32, #tpu.memory_space<vmem_shared>>) dst(%dma_wait3A_23 : memref<640x128xf32, #tpu.memory_space<hbm>>)
      tpu.yield
    }) : () -> ()
    return
  }
}

#map = affine_map<(d0, d1) -> (0, 0)>
module attributes {stable_mosaic.version = 14 : i64} {
  func.func @mp_kernel(%arg0: i32, %arg1: i32, %arg2: memref<10000x128xf32, #tpu.memory_space<hbm>>, %arg3: memref<2560x125xi32, #tpu.memory_space<hbm>>, %arg4: memref<2560x125xi32, #tpu.memory_space<hbm>>, %arg5: memref<10240x128xf32, #tpu.memory_space<hbm>>, %arg6: memref<20480x128xf32, #tpu.memory_space<hbm>>, %arg7: memref<16x125xi32, #tpu.memory_space<vmem>>, %arg8: memref<16x125xi32, #tpu.memory_space<vmem>>, %arg9: memref<125x128xf32, #tpu.memory_space<vmem>>, %arg10: memref<!tpu.dma_semaphore, #tpu.memory_space<semaphore_mem>>, %arg11: memref<10240x128xf32, #tpu.memory_space<vmem_shared>>) attributes {dimension_semantics = [#tpu.dimension_semantics<core_parallel>, #tpu.dimension_semantics<subcore_parallel>], iteration_bounds = array<i64: 2, 16>, scalar_prefetch = 0 : i64, scratch_operands = 5 : i64, tpu.core_type = #tpu.core_type<sc_vector_subcore>, window_params = [{transform_indices = #map}, {transform_indices = #map}, {transform_indices = #map}, {transform_indices = #map}, {transform_indices = #map}]} {
    %mul3A = arith.constant 640 : i32
    %mul3A_0 = arith.muli %arg1, %mul3A : i32
    %mul3A_1 = arith.constant 640 : i32
    %mul3A_2 = arith.muli %arg1, %mul3A_1 : i32
    "tpu.region"() ({
      %run_scoped3A = tpu.sem_alloc : memref<!tpu.dma_semaphore, #tpu.memory_space<semaphore_mem>>
      %dma_start3A = arith.constant 0 : i32
      %dma_start3A_20 = tpu.memref_slice %arg11[%mul3A_2, %dma_start3A] : memref<10240x128xf32, #tpu.memory_space<vmem_shared>> -> memref<640x128xf32, #tpu.memory_space<vmem_shared>>
      %dma_start3A_21 = arith.constant 0 : i32
      %dma_start3A_22 = tpu.memref_slice %arg5[%mul3A_0, %dma_start3A_21] : memref<10240x128xf32, #tpu.memory_space<hbm>> -> memref<640x128xf32, #tpu.memory_space<hbm>>
      tpu.enqueue_dma source(%dma_start3A_22 : memref<640x128xf32, #tpu.memory_space<hbm>>) target(%dma_start3A_20 : memref<640x128xf32, #tpu.memory_space<vmem_shared>>) target_semaphore(%run_scoped3A : memref<!tpu.dma_semaphore, #tpu.memory_space<semaphore_mem>>)
      %dma_wait3A = arith.constant 0 : i32
      %dma_wait3A_23 = tpu.memref_slice %arg11[%mul3A_2, %dma_wait3A] : memref<10240x128xf32, #tpu.memory_space<vmem_shared>> -> memref<640x128xf32, #tpu.memory_space<vmem_shared>>
      %dma_wait3A_24 = arith.constant 0 : i32
      %dma_wait3A_25 = tpu.memref_slice %arg5[%mul3A_0, %dma_wait3A_24] : memref<10240x128xf32, #tpu.memory_space<hbm>> -> memref<640x128xf32, #tpu.memory_space<hbm>>
      tpu.wait_dma2 semaphore(%run_scoped3A : memref<!tpu.dma_semaphore, #tpu.memory_space<semaphore_mem>>) src(%dma_wait3A_25 : memref<640x128xf32, #tpu.memory_space<hbm>>) dst(%dma_wait3A_23 : memref<640x128xf32, #tpu.memory_space<vmem_shared>>)
      tpu.yield
    }) : () -> ()
    %barrier3A = arith.constant 0 : index
    tpu.barrier barrier_id(%barrier3A)
    %mul3A_3 = arith.constant 2 : i32
    %mul3A_4 = arith.muli %arg1, %mul3A_3 : i32
    %add3A = arith.addi %mul3A_4, %arg0 : i32
    %mul3A_5 = arith.constant 80 : i32
    %mul3A_6 = arith.muli %add3A, %mul3A_5 : i32
    %scan3A = arith.constant 0 : i32
    %scan3A_7 = arith.constant 0 : i32
    %scan3A_8 = arith.constant 5 : i32
    %scan3A_9 = arith.addi %scan3A_7, %scan3A_8 : i32
    %scan3A_10 = arith.constant 1 : i32
    scf.for %scan3A_20 = %scan3A_7 to %scan3A_9 step %scan3A_10  : i32 {
      %mul3A_21 = arith.constant 16 : i32
      %mul3A_22 = arith.muli %scan3A_20, %mul3A_21 : i32
      %add3A_23 = arith.addi %mul3A_6, %mul3A_22 : i32
      "tpu.region"() ({
        %run_scoped3A = tpu.sem_alloc : memref<!tpu.dma_semaphore, #tpu.memory_space<semaphore_mem>>
        %dma_start3A = arith.constant 0 : i32
        %dma_start3A_32 = tpu.memref_slice %arg3[%add3A_23, %dma_start3A] : memref<2560x125xi32, #tpu.memory_space<hbm>> -> memref<16x125xi32, #tpu.memory_space<hbm>>
        %dma_start3A_33 = arith.constant 0 : i32
        %dma_start3A_34 = tpu.memref_slice %arg3[%add3A_23, %dma_start3A_33] : memref<2560x125xi32, #tpu.memory_space<hbm>> -> memref<16x125xi32, #tpu.memory_space<hbm>>
        tpu.enqueue_dma source(%dma_start3A_34 : memref<16x125xi32, #tpu.memory_space<hbm>>) target(%arg7 : memref<16x125xi32, #tpu.memory_space<vmem>>) target_semaphore(%run_scoped3A : memref<!tpu.dma_semaphore, #tpu.memory_space<semaphore_mem>>)
        %dma_wait3A = arith.constant 0 : i32
        %dma_wait3A_35 = tpu.memref_slice %arg3[%add3A_23, %dma_wait3A] : memref<2560x125xi32, #tpu.memory_space<hbm>> -> memref<16x125xi32, #tpu.memory_space<hbm>>
        %dma_wait3A_36 = arith.constant 0 : i32
        %dma_wait3A_37 = tpu.memref_slice %arg3[%add3A_23, %dma_wait3A_36] : memref<2560x125xi32, #tpu.memory_space<hbm>> -> memref<16x125xi32, #tpu.memory_space<hbm>>
        tpu.wait_dma2 semaphore(%run_scoped3A : memref<!tpu.dma_semaphore, #tpu.memory_space<semaphore_mem>>) src(%dma_wait3A_37 : memref<16x125xi32, #tpu.memory_space<hbm>>) dst(%arg7 : memref<16x125xi32, #tpu.memory_space<vmem>>)
        tpu.yield
      }) : () -> ()
      %mul3A_24 = arith.constant 16 : i32
      %mul3A_25 = arith.muli %scan3A_20, %mul3A_24 : i32
      %add3A_26 = arith.addi %mul3A_6, %mul3A_25 : i32
      "tpu.region"() ({
        %run_scoped3A = tpu.sem_alloc : memref<!tpu.dma_semaphore, #tpu.memory_space<semaphore_mem>>
        %dma_start3A = arith.constant 0 : i32
        %dma_start3A_32 = tpu.memref_slice %arg4[%add3A_26, %dma_start3A] : memref<2560x125xi32, #tpu.memory_space<hbm>> -> memref<16x125xi32, #tpu.memory_space<hbm>>
        %dma_start3A_33 = arith.constant 0 : i32
        %dma_start3A_34 = tpu.memref_slice %arg4[%add3A_26, %dma_start3A_33] : memref<2560x125xi32, #tpu.memory_space<hbm>> -> memref<16x125xi32, #tpu.memory_space<hbm>>
        tpu.enqueue_dma source(%dma_start3A_34 : memref<16x125xi32, #tpu.memory_space<hbm>>) target(%arg8 : memref<16x125xi32, #tpu.memory_space<vmem>>) target_semaphore(%run_scoped3A : memref<!tpu.dma_semaphore, #tpu.memory_space<semaphore_mem>>)
        %dma_wait3A = arith.constant 0 : i32
        %dma_wait3A_35 = tpu.memref_slice %arg4[%add3A_26, %dma_wait3A] : memref<2560x125xi32, #tpu.memory_space<hbm>> -> memref<16x125xi32, #tpu.memory_space<hbm>>
        %dma_wait3A_36 = arith.constant 0 : i32
        %dma_wait3A_37 = tpu.memref_slice %arg4[%add3A_26, %dma_wait3A_36] : memref<2560x125xi32, #tpu.memory_space<hbm>> -> memref<16x125xi32, #tpu.memory_space<hbm>>
        tpu.wait_dma2 semaphore(%run_scoped3A : memref<!tpu.dma_semaphore, #tpu.memory_space<semaphore_mem>>) src(%dma_wait3A_37 : memref<16x125xi32, #tpu.memory_space<hbm>>) dst(%arg8 : memref<16x125xi32, #tpu.memory_space<vmem>>)
        tpu.yield
      }) : () -> ()
      %scan3A_27 = arith.constant 0 : i32
      %scan3A_28 = arith.constant 16 : i32
      %scan3A_29 = arith.addi %scan3A_27, %scan3A_28 : i32
      %scan3A_30 = arith.constant 1 : i32
      scf.for %scan3A_32 = %scan3A_27 to %scan3A_29 step %scan3A_30  : i32 {
        %dma_start3A = arith.constant 0 : i32
        %dma_start3A_33 = tpu.memref_slice %arg7[%scan3A_32, %dma_start3A] : memref<16x125xi32, #tpu.memory_space<vmem>> -> memref<1x125xi32, #tpu.memory_space<vmem>>
        %dma_start3A_34 = tpu.memref_squeeze %dma_start3A_33 : memref<1x125xi32, #tpu.memory_space<vmem>> -> memref<125xi32, #tpu.memory_space<vmem>>
        %dma_start3A_35 = arith.constant 0 : i32
        %dma_start3A_36 = arith.constant 0 : i32
        %dma_start3A_37 = tpu.memref_slice %arg2[%dma_start3A_35, %dma_start3A_36] : memref<10000x128xf32, #tpu.memory_space<hbm>> -> memref<10000x128xf32, #tpu.memory_space<hbm>>
        tpu.enqueue_indirect_dma source(%dma_start3A_37 : memref<10000x128xf32, #tpu.memory_space<hbm>>) target(%arg9 : memref<125x128xf32, #tpu.memory_space<vmem>>) offsets(%dma_start3A_34 : memref<125xi32, #tpu.memory_space<vmem>>) semaphore(%arg10 : memref<!tpu.dma_semaphore, #tpu.memory_space<semaphore_mem>>)
        %dma_wait3A = arith.constant 0 : i32
        %dma_wait3A_38 = tpu.memref_slice %arg7[%scan3A_32, %dma_wait3A] : memref<16x125xi32, #tpu.memory_space<vmem>> -> memref<1x125xi32, #tpu.memory_space<vmem>>
        %dma_wait3A_39 = tpu.memref_squeeze %dma_wait3A_38 : memref<1x125xi32, #tpu.memory_space<vmem>> -> memref<125xi32, #tpu.memory_space<vmem>>
        %dma_wait3A_40 = arith.constant 0 : i32
        %dma_wait3A_41 = arith.constant 0 : i32
        %dma_wait3A_42 = tpu.memref_slice %arg2[%dma_wait3A_40, %dma_wait3A_41] : memref<10000x128xf32, #tpu.memory_space<hbm>> -> memref<10000x128xf32, #tpu.memory_space<hbm>>
        tpu.wait_indirect_dma semaphore(%arg10 : memref<!tpu.dma_semaphore, #tpu.memory_space<semaphore_mem>>) src(%dma_wait3A_42 : memref<10000x128xf32, #tpu.memory_space<hbm>>) dst(%arg9 : memref<125x128xf32, #tpu.memory_space<vmem>>)
        "tpu.region"() ({
          %run_scoped3A = tpu.sem_alloc : memref<!tpu.dma_semaphore, #tpu.memory_space<semaphore_mem>>
          %dma_start3A_43 = arith.constant 0 : i32
          %dma_start3A_44 = tpu.memref_slice %arg8[%scan3A_32, %dma_start3A_43] : memref<16x125xi32, #tpu.memory_space<vmem>> -> memref<1x125xi32, #tpu.memory_space<vmem>>
          %dma_start3A_45 = tpu.memref_squeeze %dma_start3A_44 : memref<1x125xi32, #tpu.memory_space<vmem>> -> memref<125xi32, #tpu.memory_space<vmem>>
          %dma_start3A_46 = arith.constant 0 : i32
          %dma_start3A_47 = arith.constant 0 : i32
          %dma_start3A_48 = tpu.memref_slice %arg11[%dma_start3A_46, %dma_start3A_47] : memref<10240x128xf32, #tpu.memory_space<vmem_shared>> -> memref<10240x128xf32, #tpu.memory_space<vmem_shared>>
          tpu.enqueue_indirect_dma source(%arg9 : memref<125x128xf32, #tpu.memory_space<vmem>>) target(%dma_start3A_48 : memref<10240x128xf32, #tpu.memory_space<vmem_shared>>) offsets(%dma_start3A_45 : memref<125xi32, #tpu.memory_space<vmem>>) semaphore(%run_scoped3A : memref<!tpu.dma_semaphore, #tpu.memory_space<semaphore_mem>>) {add = true}
          %dma_wait3A_49 = arith.constant 0 : i32
          %dma_wait3A_50 = tpu.memref_slice %arg8[%scan3A_32, %dma_wait3A_49] : memref<16x125xi32, #tpu.memory_space<vmem>> -> memref<1x125xi32, #tpu.memory_space<vmem>>
          %dma_wait3A_51 = tpu.memref_squeeze %dma_wait3A_50 : memref<1x125xi32, #tpu.memory_space<vmem>> -> memref<125xi32, #tpu.memory_space<vmem>>
          %dma_wait3A_52 = arith.constant 0 : i32
          %dma_wait3A_53 = arith.constant 0 : i32
          %dma_wait3A_54 = tpu.memref_slice %arg11[%dma_wait3A_52, %dma_wait3A_53] : memref<10240x128xf32, #tpu.memory_space<vmem_shared>> -> memref<10240x128xf32, #tpu.memory_space<vmem_shared>>
          tpu.wait_indirect_dma semaphore(%run_scoped3A : memref<!tpu.dma_semaphore, #tpu.memory_space<semaphore_mem>>) src(%arg9 : memref<125x128xf32, #tpu.memory_space<vmem>>) dst(%dma_wait3A_54 : memref<10240x128xf32, #tpu.memory_space<vmem_shared>>)
          tpu.yield
        }) : () -> ()
      }
      %scan3A_31 = arith.constant 16 : i32
    }
    %scan3A_11 = arith.constant 5 : i32
    %barrier3A_12 = arith.constant 0 : index
    tpu.barrier barrier_id(%barrier3A_12)
    %mul3A_13 = arith.constant 640 : i32
    %mul3A_14 = arith.muli %arg1, %mul3A_13 : i32
    %mul3A_15 = arith.constant 10240 : i32
    %mul3A_16 = arith.muli %arg0, %mul3A_15 : i32
    %mul3A_17 = arith.constant 640 : i32
    %mul3A_18 = arith.muli %arg1, %mul3A_17 : i32
    %add3A_19 = arith.addi %mul3A_16, %mul3A_18 : i32
    "tpu.region"() ({
      %run_scoped3A = tpu.sem_alloc : memref<!tpu.dma_semaphore, #tpu.memory_space<semaphore_mem>>
      %dma_start3A = arith.constant 0 : i32
      %dma_start3A_20 = tpu.memref_slice %arg6[%add3A_19, %dma_start3A] : memref<20480x128xf32, #tpu.memory_space<hbm>> -> memref<640x128xf32, #tpu.memory_space<hbm>>
      %dma_start3A_21 = arith.constant 0 : i32
      %dma_start3A_22 = tpu.memref_slice %arg11[%mul3A_14, %dma_start3A_21] : memref<10240x128xf32, #tpu.memory_space<vmem_shared>> -> memref<640x128xf32, #tpu.memory_space<vmem_shared>>
      tpu.enqueue_dma source(%dma_start3A_22 : memref<640x128xf32, #tpu.memory_space<vmem_shared>>) target(%dma_start3A_20 : memref<640x128xf32, #tpu.memory_space<hbm>>) target_semaphore(%run_scoped3A : memref<!tpu.dma_semaphore, #tpu.memory_space<semaphore_mem>>)
      %dma_wait3A = arith.constant 0 : i32
      %dma_wait3A_23 = tpu.memref_slice %arg6[%add3A_19, %dma_wait3A] : memref<20480x128xf32, #tpu.memory_space<hbm>> -> memref<640x128xf32, #tpu.memory_space<hbm>>
      %dma_wait3A_24 = arith.constant 0 : i32
      %dma_wait3A_25 = tpu.memref_slice %arg11[%mul3A_14, %dma_wait3A_24] : memref<10240x128xf32, #tpu.memory_space<vmem_shared>> -> memref<640x128xf32, #tpu.memory_space<vmem_shared>>
      tpu.wait_dma2 semaphore(%run_scoped3A : memref<!tpu.dma_semaphore, #tpu.memory_space<semaphore_mem>>) src(%dma_wait3A_25 : memref<640x128xf32, #tpu.memory_space<vmem_shared>>) dst(%dma_wait3A_23 : memref<640x128xf32, #tpu.memory_space<hbm>>)
      tpu.yield
    }) : () -> ()
    return
  }
}

#map = affine_map<(d0, d1) -> (0, 0)>
module attributes {stable_mosaic.version = 14 : i64} {
  func.func @mp_kernel(%arg0: i32, %arg1: i32, %arg2: memref<20000x128xf32, #tpu.memory_space<hbm>>, %arg3: memref<5120x125xi32, #tpu.memory_space<hbm>>, %arg4: memref<2560x125xi32, #tpu.memory_space<hbm>>, %arg5: memref<10240x128xf32, #tpu.memory_space<hbm>>, %arg6: memref<20480x128xf32, #tpu.memory_space<hbm>>, %arg7: memref<16x125xi32, #tpu.memory_space<vmem>>, %arg8: memref<16x125xi32, #tpu.memory_space<vmem>>, %arg9: memref<125x128xf32, #tpu.memory_space<vmem>>, %arg10: memref<!tpu.dma_semaphore, #tpu.memory_space<semaphore_mem>>, %arg11: memref<10240x128xf32, #tpu.memory_space<vmem_shared>>) attributes {dimension_semantics = [#tpu.dimension_semantics<core_parallel>, #tpu.dimension_semantics<subcore_parallel>], iteration_bounds = array<i64: 2, 16>, scalar_prefetch = 0 : i64, scratch_operands = 5 : i64, tpu.core_type = #tpu.core_type<sc_vector_subcore>, window_params = [{transform_indices = #map}, {transform_indices = #map}, {transform_indices = #map}, {transform_indices = #map}, {transform_indices = #map}]} {
    %mul3A = arith.constant 640 : i32
    %mul3A_0 = arith.muli %arg1, %mul3A : i32
    %mul3A_1 = arith.constant 640 : i32
    %mul3A_2 = arith.muli %arg1, %mul3A_1 : i32
    "tpu.region"() ({
      %run_scoped3A = tpu.sem_alloc : memref<!tpu.dma_semaphore, #tpu.memory_space<semaphore_mem>>
      %dma_start3A = arith.constant 0 : i32
      %dma_start3A_22 = tpu.memref_slice %arg11[%mul3A_2, %dma_start3A] : memref<10240x128xf32, #tpu.memory_space<vmem_shared>> -> memref<640x128xf32, #tpu.memory_space<vmem_shared>>
      %dma_start3A_23 = arith.constant 0 : i32
      %dma_start3A_24 = tpu.memref_slice %arg5[%mul3A_0, %dma_start3A_23] : memref<10240x128xf32, #tpu.memory_space<hbm>> -> memref<640x128xf32, #tpu.memory_space<hbm>>
      tpu.enqueue_dma source(%dma_start3A_24 : memref<640x128xf32, #tpu.memory_space<hbm>>) target(%dma_start3A_22 : memref<640x128xf32, #tpu.memory_space<vmem_shared>>) target_semaphore(%run_scoped3A : memref<!tpu.dma_semaphore, #tpu.memory_space<semaphore_mem>>)
      %dma_wait3A = arith.constant 0 : i32
      %dma_wait3A_25 = tpu.memref_slice %arg11[%mul3A_2, %dma_wait3A] : memref<10240x128xf32, #tpu.memory_space<vmem_shared>> -> memref<640x128xf32, #tpu.memory_space<vmem_shared>>
      %dma_wait3A_26 = arith.constant 0 : i32
      %dma_wait3A_27 = tpu.memref_slice %arg5[%mul3A_0, %dma_wait3A_26] : memref<10240x128xf32, #tpu.memory_space<hbm>> -> memref<640x128xf32, #tpu.memory_space<hbm>>
      tpu.wait_dma2 semaphore(%run_scoped3A : memref<!tpu.dma_semaphore, #tpu.memory_space<semaphore_mem>>) src(%dma_wait3A_27 : memref<640x128xf32, #tpu.memory_space<hbm>>) dst(%dma_wait3A_25 : memref<640x128xf32, #tpu.memory_space<vmem_shared>>)
      tpu.yield
    }) : () -> ()
    %barrier3A = arith.constant 0 : index
    tpu.barrier barrier_id(%barrier3A)
    %mul3A_3 = arith.constant 2560 : i32
    %mul3A_4 = arith.muli %arg0, %mul3A_3 : i32
    %mul3A_5 = arith.constant 160 : i32
    %mul3A_6 = arith.muli %arg1, %mul3A_5 : i32
    %add3A = arith.addi %mul3A_4, %mul3A_6 : i32
    %mul3A_7 = arith.constant 160 : i32
    %mul3A_8 = arith.muli %arg1, %mul3A_7 : i32
    %scan3A = arith.constant 0 : i32
    %scan3A_9 = arith.constant 0 : i32
    %scan3A_10 = arith.constant 10 : i32
    %scan3A_11 = arith.addi %scan3A_9, %scan3A_10 : i32
    %scan3A_12 = arith.constant 1 : i32
    scf.for %scan3A_22 = %scan3A_9 to %scan3A_11 step %scan3A_12  : i32 {
      %mul3A_23 = arith.constant 16 : i32
      %mul3A_24 = arith.muli %scan3A_22, %mul3A_23 : i32
      %add3A_25 = arith.addi %add3A, %mul3A_24 : i32
      "tpu.region"() ({
        %run_scoped3A = tpu.sem_alloc : memref<!tpu.dma_semaphore, #tpu.memory_space<semaphore_mem>>
        %dma_start3A = arith.constant 0 : i32
        %dma_start3A_34 = tpu.memref_slice %arg3[%add3A_25, %dma_start3A] : memref<5120x125xi32, #tpu.memory_space<hbm>> -> memref<16x125xi32, #tpu.memory_space<hbm>>
        %dma_start3A_35 = arith.constant 0 : i32
        %dma_start3A_36 = tpu.memref_slice %arg3[%add3A_25, %dma_start3A_35] : memref<5120x125xi32, #tpu.memory_space<hbm>> -> memref<16x125xi32, #tpu.memory_space<hbm>>
        tpu.enqueue_dma source(%dma_start3A_36 : memref<16x125xi32, #tpu.memory_space<hbm>>) target(%arg7 : memref<16x125xi32, #tpu.memory_space<vmem>>) target_semaphore(%run_scoped3A : memref<!tpu.dma_semaphore, #tpu.memory_space<semaphore_mem>>)
        %dma_wait3A = arith.constant 0 : i32
        %dma_wait3A_37 = tpu.memref_slice %arg3[%add3A_25, %dma_wait3A] : memref<5120x125xi32, #tpu.memory_space<hbm>> -> memref<16x125xi32, #tpu.memory_space<hbm>>
        %dma_wait3A_38 = arith.constant 0 : i32
        %dma_wait3A_39 = tpu.memref_slice %arg3[%add3A_25, %dma_wait3A_38] : memref<5120x125xi32, #tpu.memory_space<hbm>> -> memref<16x125xi32, #tpu.memory_space<hbm>>
        tpu.wait_dma2 semaphore(%run_scoped3A : memref<!tpu.dma_semaphore, #tpu.memory_space<semaphore_mem>>) src(%dma_wait3A_39 : memref<16x125xi32, #tpu.memory_space<hbm>>) dst(%arg7 : memref<16x125xi32, #tpu.memory_space<vmem>>)
        tpu.yield
      }) : () -> ()
      %mul3A_26 = arith.constant 16 : i32
      %mul3A_27 = arith.muli %scan3A_22, %mul3A_26 : i32
      %add3A_28 = arith.addi %mul3A_8, %mul3A_27 : i32
      "tpu.region"() ({
        %run_scoped3A = tpu.sem_alloc : memref<!tpu.dma_semaphore, #tpu.memory_space<semaphore_mem>>
        %dma_start3A = arith.constant 0 : i32
        %dma_start3A_34 = tpu.memref_slice %arg4[%add3A_28, %dma_start3A] : memref<2560x125xi32, #tpu.memory_space<hbm>> -> memref<16x125xi32, #tpu.memory_space<hbm>>
        %dma_start3A_35 = arith.constant 0 : i32
        %dma_start3A_36 = tpu.memref_slice %arg4[%add3A_28, %dma_start3A_35] : memref<2560x125xi32, #tpu.memory_space<hbm>> -> memref<16x125xi32, #tpu.memory_space<hbm>>
        tpu.enqueue_dma source(%dma_start3A_36 : memref<16x125xi32, #tpu.memory_space<hbm>>) target(%arg8 : memref<16x125xi32, #tpu.memory_space<vmem>>) target_semaphore(%run_scoped3A : memref<!tpu.dma_semaphore, #tpu.memory_space<semaphore_mem>>)
        %dma_wait3A = arith.constant 0 : i32
        %dma_wait3A_37 = tpu.memref_slice %arg4[%add3A_28, %dma_wait3A] : memref<2560x125xi32, #tpu.memory_space<hbm>> -> memref<16x125xi32, #tpu.memory_space<hbm>>
        %dma_wait3A_38 = arith.constant 0 : i32
        %dma_wait3A_39 = tpu.memref_slice %arg4[%add3A_28, %dma_wait3A_38] : memref<2560x125xi32, #tpu.memory_space<hbm>> -> memref<16x125xi32, #tpu.memory_space<hbm>>
        tpu.wait_dma2 semaphore(%run_scoped3A : memref<!tpu.dma_semaphore, #tpu.memory_space<semaphore_mem>>) src(%dma_wait3A_39 : memref<16x125xi32, #tpu.memory_space<hbm>>) dst(%arg8 : memref<16x125xi32, #tpu.memory_space<vmem>>)
        tpu.yield
      }) : () -> ()
      %scan3A_29 = arith.constant 0 : i32
      %scan3A_30 = arith.constant 16 : i32
      %scan3A_31 = arith.addi %scan3A_29, %scan3A_30 : i32
      %scan3A_32 = arith.constant 1 : i32
      scf.for %scan3A_34 = %scan3A_29 to %scan3A_31 step %scan3A_32  : i32 {
        %dma_start3A = arith.constant 0 : i32
        %dma_start3A_35 = tpu.memref_slice %arg7[%scan3A_34, %dma_start3A] : memref<16x125xi32, #tpu.memory_space<vmem>> -> memref<1x125xi32, #tpu.memory_space<vmem>>
        %dma_start3A_36 = tpu.memref_squeeze %dma_start3A_35 : memref<1x125xi32, #tpu.memory_space<vmem>> -> memref<125xi32, #tpu.memory_space<vmem>>
        %dma_start3A_37 = arith.constant 0 : i32
        %dma_start3A_38 = arith.constant 0 : i32
        %dma_start3A_39 = tpu.memref_slice %arg2[%dma_start3A_37, %dma_start3A_38] : memref<20000x128xf32, #tpu.memory_space<hbm>> -> memref<20000x128xf32, #tpu.memory_space<hbm>>
        tpu.enqueue_indirect_dma source(%dma_start3A_39 : memref<20000x128xf32, #tpu.memory_space<hbm>>) target(%arg9 : memref<125x128xf32, #tpu.memory_space<vmem>>) offsets(%dma_start3A_36 : memref<125xi32, #tpu.memory_space<vmem>>) semaphore(%arg10 : memref<!tpu.dma_semaphore, #tpu.memory_space<semaphore_mem>>)
        %dma_wait3A = arith.constant 0 : i32
        %dma_wait3A_40 = tpu.memref_slice %arg7[%scan3A_34, %dma_wait3A] : memref<16x125xi32, #tpu.memory_space<vmem>> -> memref<1x125xi32, #tpu.memory_space<vmem>>
        %dma_wait3A_41 = tpu.memref_squeeze %dma_wait3A_40 : memref<1x125xi32, #tpu.memory_space<vmem>> -> memref<125xi32, #tpu.memory_space<vmem>>
        %dma_wait3A_42 = arith.constant 0 : i32
        %dma_wait3A_43 = arith.constant 0 : i32
        %dma_wait3A_44 = tpu.memref_slice %arg2[%dma_wait3A_42, %dma_wait3A_43] : memref<20000x128xf32, #tpu.memory_space<hbm>> -> memref<20000x128xf32, #tpu.memory_space<hbm>>
        tpu.wait_indirect_dma semaphore(%arg10 : memref<!tpu.dma_semaphore, #tpu.memory_space<semaphore_mem>>) src(%dma_wait3A_44 : memref<20000x128xf32, #tpu.memory_space<hbm>>) dst(%arg9 : memref<125x128xf32, #tpu.memory_space<vmem>>)
        "tpu.region"() ({
          %run_scoped3A = tpu.sem_alloc : memref<!tpu.dma_semaphore, #tpu.memory_space<semaphore_mem>>
          %dma_start3A_45 = arith.constant 0 : i32
          %dma_start3A_46 = tpu.memref_slice %arg8[%scan3A_34, %dma_start3A_45] : memref<16x125xi32, #tpu.memory_space<vmem>> -> memref<1x125xi32, #tpu.memory_space<vmem>>
          %dma_start3A_47 = tpu.memref_squeeze %dma_start3A_46 : memref<1x125xi32, #tpu.memory_space<vmem>> -> memref<125xi32, #tpu.memory_space<vmem>>
          %dma_start3A_48 = arith.constant 0 : i32
          %dma_start3A_49 = arith.constant 0 : i32
          %dma_start3A_50 = tpu.memref_slice %arg11[%dma_start3A_48, %dma_start3A_49] : memref<10240x128xf32, #tpu.memory_space<vmem_shared>> -> memref<10240x128xf32, #tpu.memory_space<vmem_shared>>
          tpu.enqueue_indirect_dma source(%arg9 : memref<125x128xf32, #tpu.memory_space<vmem>>) target(%dma_start3A_50 : memref<10240x128xf32, #tpu.memory_space<vmem_shared>>) offsets(%dma_start3A_47 : memref<125xi32, #tpu.memory_space<vmem>>) semaphore(%run_scoped3A : memref<!tpu.dma_semaphore, #tpu.memory_space<semaphore_mem>>) {add = true}
          %dma_wait3A_51 = arith.constant 0 : i32
          %dma_wait3A_52 = tpu.memref_slice %arg8[%scan3A_34, %dma_wait3A_51] : memref<16x125xi32, #tpu.memory_space<vmem>> -> memref<1x125xi32, #tpu.memory_space<vmem>>
          %dma_wait3A_53 = tpu.memref_squeeze %dma_wait3A_52 : memref<1x125xi32, #tpu.memory_space<vmem>> -> memref<125xi32, #tpu.memory_space<vmem>>
          %dma_wait3A_54 = arith.constant 0 : i32
          %dma_wait3A_55 = arith.constant 0 : i32
          %dma_wait3A_56 = tpu.memref_slice %arg11[%dma_wait3A_54, %dma_wait3A_55] : memref<10240x128xf32, #tpu.memory_space<vmem_shared>> -> memref<10240x128xf32, #tpu.memory_space<vmem_shared>>
          tpu.wait_indirect_dma semaphore(%run_scoped3A : memref<!tpu.dma_semaphore, #tpu.memory_space<semaphore_mem>>) src(%arg9 : memref<125x128xf32, #tpu.memory_space<vmem>>) dst(%dma_wait3A_56 : memref<10240x128xf32, #tpu.memory_space<vmem_shared>>)
          tpu.yield
        }) : () -> ()
      }
      %scan3A_33 = arith.constant 16 : i32
    }
    %scan3A_13 = arith.constant 10 : i32
    %barrier3A_14 = arith.constant 0 : index
    tpu.barrier barrier_id(%barrier3A_14)
    %mul3A_15 = arith.constant 640 : i32
    %mul3A_16 = arith.muli %arg1, %mul3A_15 : i32
    %mul3A_17 = arith.constant 10240 : i32
    %mul3A_18 = arith.muli %arg0, %mul3A_17 : i32
    %mul3A_19 = arith.constant 640 : i32
    %mul3A_20 = arith.muli %arg1, %mul3A_19 : i32
    %add3A_21 = arith.addi %mul3A_18, %mul3A_20 : i32
    "tpu.region"() ({
      %run_scoped3A = tpu.sem_alloc : memref<!tpu.dma_semaphore, #tpu.memory_space<semaphore_mem>>
      %dma_start3A = arith.constant 0 : i32
      %dma_start3A_22 = tpu.memref_slice %arg6[%add3A_21, %dma_start3A] : memref<20480x128xf32, #tpu.memory_space<hbm>> -> memref<640x128xf32, #tpu.memory_space<hbm>>
      %dma_start3A_23 = arith.constant 0 : i32
      %dma_start3A_24 = tpu.memref_slice %arg11[%mul3A_16, %dma_start3A_23] : memref<10240x128xf32, #tpu.memory_space<vmem_shared>> -> memref<640x128xf32, #tpu.memory_space<vmem_shared>>
      tpu.enqueue_dma source(%dma_start3A_24 : memref<640x128xf32, #tpu.memory_space<vmem_shared>>) target(%dma_start3A_22 : memref<640x128xf32, #tpu.memory_space<hbm>>) target_semaphore(%run_scoped3A : memref<!tpu.dma_semaphore, #tpu.memory_space<semaphore_mem>>)
      %dma_wait3A = arith.constant 0 : i32
      %dma_wait3A_25 = tpu.memref_slice %arg6[%add3A_21, %dma_wait3A] : memref<20480x128xf32, #tpu.memory_space<hbm>> -> memref<640x128xf32, #tpu.memory_space<hbm>>
      %dma_wait3A_26 = arith.constant 0 : i32
      %dma_wait3A_27 = tpu.memref_slice %arg11[%mul3A_16, %dma_wait3A_26] : memref<10240x128xf32, #tpu.memory_space<vmem_shared>> -> memref<640x128xf32, #tpu.memory_space<vmem_shared>>
      tpu.wait_dma2 semaphore(%run_scoped3A : memref<!tpu.dma_semaphore, #tpu.memory_space<semaphore_mem>>) src(%dma_wait3A_27 : memref<640x128xf32, #tpu.memory_space<vmem_shared>>) dst(%dma_wait3A_25 : memref<640x128xf32, #tpu.memory_space<hbm>>)
      tpu.yield
    }) : () -> ()
    return
  }
}

module attributes {stable_mosaic.version = 14 : i64} {
  func.func @body(%arg0: memref<10000x128xf32, #tpu.memory_space<vmem>>, %arg1: memref<2x2x10240x1xf32, #tpu.memory_space<vmem>>, %arg2: memref<10000x128xf32, #tpu.memory_space<vmem>>, %arg3: memref<10000x1xf32, #tpu.memory_space<vmem>>, %arg4: memref<10000x1xf32, #tpu.memory_space<vmem>>) attributes {dimension_semantics = [], scalar_prefetch = 0 : i64, scratch_operands = 0 : i64, tpu.core_type = #tpu.core_type<tc>} {
    %get3A = arith.constant 0 : index
    %get3A_0 = arith.constant 0 : index
    %get3A_1 = arith.constant 0 : index
    %get3A_2 = arith.constant 0 : index
    %get3A_3 = vector.load %arg1[%get3A, %get3A_0, %get3A_1, %get3A_2] : memref<2x2x10240x1xf32, #tpu.memory_space<vmem>>, vector<2x2x10240x1xf32>
    %slice3A = vector.extract_strided_slice %get3A_3 {offsets = [0, 0, 0, 0], sizes = [1, 1, 10240, 1], strides = [1, 1, 1, 1]} : vector<2x2x10240x1xf32> to vector<1x1x10240x1xf32>
    %squeeze3A = vector.shape_cast %slice3A : vector<1x1x10240x1xf32> to vector<10240x1xf32>
    %slice3A_4 = vector.extract_strided_slice %get3A_3 {offsets = [1, 0, 0, 0], sizes = [1, 1, 10240, 1], strides = [1, 1, 1, 1]} : vector<2x2x10240x1xf32> to vector<1x1x10240x1xf32>
    %squeeze3A_5 = vector.shape_cast %slice3A_4 : vector<1x1x10240x1xf32> to vector<10240x1xf32>
    %add3A = arith.addf %squeeze3A, %squeeze3A_5 : vector<10240x1xf32>
    %slice3A_6 = vector.extract_strided_slice %get3A_3 {offsets = [0, 1, 0, 0], sizes = [1, 1, 10240, 1], strides = [1, 1, 1, 1]} : vector<2x2x10240x1xf32> to vector<1x1x10240x1xf32>
    %squeeze3A_7 = vector.shape_cast %slice3A_6 : vector<1x1x10240x1xf32> to vector<10240x1xf32>
    %slice3A_8 = vector.extract_strided_slice %get3A_3 {offsets = [1, 1, 0, 0], sizes = [1, 1, 10240, 1], strides = [1, 1, 1, 1]} : vector<2x2x10240x1xf32> to vector<1x1x10240x1xf32>
    %squeeze3A_9 = vector.shape_cast %slice3A_8 : vector<1x1x10240x1xf32> to vector<10240x1xf32>
    %add3A_10 = arith.addf %squeeze3A_7, %squeeze3A_9 : vector<10240x1xf32>
    %jit3A = arith.constant 1.000000e+00 : f32
    %max3A = vector.broadcast %jit3A : f32 to vector<10240x1xf32>
    %max3A_11 = arith.maximumf %max3A, %add3A : vector<10240x1xf32>
    %rsqrt3A = math.rsqrt %max3A_11 : vector<10240x1xf32>
    %slice3A_12 = vector.extract_strided_slice %rsqrt3A {offsets = [0, 0], sizes = [10000, 1], strides = [1, 1]} : vector<10240x1xf32> to vector<10000x1xf32>
    %jit3A_13 = arith.constant 1.000000e+00 : f32
    %max3A_14 = vector.broadcast %jit3A_13 : f32 to vector<10240x1xf32>
    %max3A_15 = arith.maximumf %max3A_14, %add3A_10 : vector<10240x1xf32>
    %rsqrt3A_16 = math.rsqrt %max3A_15 : vector<10240x1xf32>
    %slice3A_17 = vector.extract_strided_slice %rsqrt3A_16 {offsets = [0, 0], sizes = [10000, 1], strides = [1, 1]} : vector<10240x1xf32> to vector<10000x1xf32>
    %swap3A = arith.constant 0 : index
    %swap3A_18 = arith.constant 0 : index
    %swap3A_19 = vector.load %arg3[%swap3A, %swap3A_18] : memref<10000x1xf32, #tpu.memory_space<vmem>>, vector<10000x1xf32>
    tpu.vector_store %arg3[%swap3A, %swap3A_18], %slice3A_12 {strides = array<i32>} : memref<10000x1xf32, #tpu.memory_space<vmem>>, vector<10000x1xf32>,
    %swap3A_20 = arith.constant 0 : index
    %swap3A_21 = arith.constant 0 : index
    %swap3A_22 = vector.load %arg4[%swap3A_20, %swap3A_21] : memref<10000x1xf32, #tpu.memory_space<vmem>>, vector<10000x1xf32>
    tpu.vector_store %arg4[%swap3A_20, %swap3A_21], %slice3A_17 {strides = array<i32>} : memref<10000x1xf32, #tpu.memory_space<vmem>>, vector<10000x1xf32>,
    %get3A_23 = arith.constant 0 : index
    %get3A_24 = arith.constant 0 : index
    %get3A_25 = vector.load %arg0[%get3A_23, %get3A_24] : memref<10000x128xf32, #tpu.memory_space<vmem>>, vector<10000x128xf32>
    %mul3A = vector.broadcast %slice3A_12 : vector<10000x1xf32> to vector<10000x128xf32>
    %mul3A_26 = arith.mulf %get3A_25, %mul3A : vector<10000x128xf32>
    %swap3A_27 = arith.constant 0 : index
    %swap3A_28 = arith.constant 0 : index
    %swap3A_29 = vector.load %arg2[%swap3A_27, %swap3A_28] : memref<10000x128xf32, #tpu.memory_space<vmem>>, vector<10000x128xf32>
    tpu.vector_store %arg2[%swap3A_27, %swap3A_28], %mul3A_26 {strides = array<i32>} : memref<10000x128xf32, #tpu.memory_space<vmem>>, vector<10000x128xf32>,
    return
  }
}

module attributes {stable_mosaic.version = 14 : i64} {
  func.func @body(%arg0: i32, %arg1: i32, %arg2: memref<2x2000x128xf32, #tpu.memory_space<vmem>>, %arg3: memref<128x128xf32, #tpu.memory_space<vmem>>, %arg4: memref<1x128xf32, #tpu.memory_space<vmem>>, %arg5: memref<2000x1xf32, #tpu.memory_space<vmem>>, %arg6: memref<2000x1xf32, #tpu.memory_space<vmem>>, %arg7: memref<1x2000x128xf32, #tpu.memory_space<vmem>>) attributes {dimension_semantics = [#tpu.dimension_semantics<arbitrary>, #tpu.dimension_semantics<arbitrary>], iteration_bounds = array<i64: 5, 2>, scalar_prefetch = 0 : i64, scratch_operands = 0 : i64, tpu.core_type = #tpu.core_type<tc>, window_params = [{transform_indices = @transform_0, window_bounds = array<i64: 2, 2000, 128>}, {transform_indices = @transform_1, window_bounds = array<i64: 128, 128>}, {transform_indices = @transform_2, window_bounds = array<i64: 1, 128>}, {transform_indices = @transform_3, window_bounds = array<i64: 2000, 1>}, {transform_indices = @transform_4, window_bounds = array<i64: 2000, 1>}, {transform_indices = @transform_5, window_bounds = array<i64: 1, 2000, 128>}]} {
    %get3A = arith.constant 0 : index
    %get3A_0 = arith.constant 0 : index
    %get3A_1 = arith.constant 0 : index
    %get3A_2 = vector.load %arg2[%get3A, %get3A_0, %get3A_1] : memref<2x2000x128xf32, #tpu.memory_space<vmem>>, vector<2x2000x128xf32>
    %slice3A = vector.extract_strided_slice %get3A_2 {offsets = [0, 0, 0], sizes = [1, 2000, 128], strides = [1, 1, 1]} : vector<2x2000x128xf32> to vector<1x2000x128xf32>
    %squeeze3A = vector.shape_cast %slice3A : vector<1x2000x128xf32> to vector<2000x128xf32>
    %slice3A_3 = vector.extract_strided_slice %get3A_2 {offsets = [1, 0, 0], sizes = [1, 2000, 128], strides = [1, 1, 1]} : vector<2x2000x128xf32> to vector<1x2000x128xf32>
    %squeeze3A_4 = vector.shape_cast %slice3A_3 : vector<1x2000x128xf32> to vector<2000x128xf32>
    %add3A = arith.addf %squeeze3A, %squeeze3A_4 : vector<2000x128xf32>
    %get3A_5 = arith.constant 0 : index
    %get3A_6 = arith.constant 0 : index
    %get3A_7 = vector.load %arg5[%get3A_5, %get3A_6] : memref<2000x1xf32, #tpu.memory_space<vmem>>, vector<2000x1xf32>
    %mul3A = vector.broadcast %get3A_7 : vector<2000x1xf32> to vector<2000x128xf32>
    %mul3A_8 = arith.mulf %add3A, %mul3A : vector<2000x128xf32>
    %get3A_9 = arith.constant 0 : index
    %get3A_10 = arith.constant 0 : index
    %get3A_11 = vector.load %arg3[%get3A_9, %get3A_10] : memref<128x128xf32, #tpu.memory_space<vmem>>, vector<128x128xf32>
    %dot_general3A = arith.constant dense<0.000000e+00> : vector<2000x128xf32>
    %dot_general3A_12 = tpu.matmul %mul3A_8, %get3A_11, %dot_general3A {dimension_numbers = #tpu.dot_dimension_numbers<[1], [0], [0], [1], [0, 0, 1, 1], [], []>, transpose_lhs_hint = false} : vector<2000x128xf32>, vector<128x128xf32>, vector<2000x128xf32> -> vector<2000x128xf32>
    %get3A_13 = arith.constant 0 : index
    %get3A_14 = arith.constant 0 : index
    %get3A_15 = vector.load %arg4[%get3A_13, %get3A_14] : memref<1x128xf32, #tpu.memory_space<vmem>>, vector<1x128xf32>
    %add3A_16 = vector.broadcast %get3A_15 : vector<1x128xf32> to vector<2000x128xf32>
    %add3A_17 = arith.addf %dot_general3A_12, %add3A_16 : vector<2000x128xf32>
    %max3A = arith.constant 0.000000e+00 : f32
    %max3A_18 = vector.broadcast %max3A : f32 to vector<2000x128xf32>
    %max3A_19 = arith.maximumf %add3A_17, %max3A_18 : vector<2000x128xf32>
    %get3A_20 = arith.constant 0 : index
    %get3A_21 = arith.constant 0 : index
    %get3A_22 = vector.load %arg6[%get3A_20, %get3A_21] : memref<2000x1xf32, #tpu.memory_space<vmem>>, vector<2000x1xf32>
    %mul3A_23 = vector.broadcast %get3A_22 : vector<2000x1xf32> to vector<2000x128xf32>
    %mul3A_24 = arith.mulf %max3A_19, %mul3A_23 : vector<2000x128xf32>
    %broadcast_in_dim3A = vector.shape_cast %mul3A_24 : vector<2000x128xf32> to vector<1x2000x128xf32>
    %swap3A = arith.constant 0 : index
    %swap3A_25 = arith.constant 0 : index
    %swap3A_26 = arith.constant 0 : index
    %swap3A_27 = vector.load %arg7[%swap3A, %swap3A_25, %swap3A_26] : memref<1x2000x128xf32, #tpu.memory_space<vmem>>, vector<1x2000x128xf32>
    tpu.vector_store %arg7[%swap3A, %swap3A_25, %swap3A_26], %broadcast_in_dim3A {strides = array<i32>} : memref<1x2000x128xf32, #tpu.memory_space<vmem>>, vector<1x2000x128xf32>,
    return
  }
  func.func @transform_0(%arg0: i32, %arg1: i32) -> (i32, i32, i32) {
    %c0_i32 = arith.constant 0 : i32
    %c0_i32_0 = arith.constant 0 : i32
    %c0_i32_1 = arith.constant 0 : i32
    return %c0_i32, %arg0, %c0_i32_0 : i32, i32, i32
  }
  func.func @transform_1(%arg0: i32, %arg1: i32) -> (i32, i32) {
    %c0_i32 = arith.constant 0 : i32
    %c0_i32_0 = arith.constant 0 : i32
    return %c0_i32, %arg1 : i32, i32
  }
  func.func @transform_2(%arg0: i32, %arg1: i32) -> (i32, i32) {
    %c0_i32 = arith.constant 0 : i32
    %c0_i32_0 = arith.constant 0 : i32
    return %c0_i32, %arg1 : i32, i32
  }
  func.func @transform_3(%arg0: i32, %arg1: i32) -> (i32, i32) {
    %c0_i32 = arith.constant 0 : i32
    %c0_i32_0 = arith.constant 0 : i32
    return %arg0, %c0_i32 : i32, i32
  }
  func.func @transform_4(%arg0: i32, %arg1: i32) -> (i32, i32) {
    %c0_i32 = arith.constant 0 : i32
    %c0_i32_0 = arith.constant 0 : i32
    return %arg0, %c0_i32 : i32, i32
  }
  func.func @transform_5(%arg0: i32, %arg1: i32) -> (i32, i32, i32) {
    %c0_i32 = arith.constant 0 : i32
    %c0_i32_0 = arith.constant 0 : i32
    return %arg1, %arg0, %c0_i32 : i32, i32, i32
  }
}

module attributes {stable_mosaic.version = 14 : i64} {
  func.func @body(%arg0: i32, %arg1: memref<2x2000x128xf32, #tpu.memory_space<vmem>>, %arg2: memref<256x256xf32, #tpu.memory_space<vmem>>, %arg3: memref<1x256xf32, #tpu.memory_space<vmem>>, %arg4: memref<256x128xf32, #tpu.memory_space<vmem>>, %arg5: memref<2000x1xf32, #tpu.memory_space<vmem>>, %arg6: memref<2000x1xf32, #tpu.memory_space<vmem>>, %arg7: memref<2000x128xf32, #tpu.memory_space<vmem>>) attributes {dimension_semantics = [#tpu.dimension_semantics<arbitrary>], iteration_bounds = array<i64: 5>, scalar_prefetch = 0 : i64, scratch_operands = 0 : i64, tpu.core_type = #tpu.core_type<tc>, window_params = [{transform_indices = @transform_0, window_bounds = array<i64: 2, 2000, 128>}, {pipeline_mode = #tpu.pipeline_mode<synchronous>, transform_indices = @transform_1, window_bounds = array<i64: 256, 256>}, {pipeline_mode = #tpu.pipeline_mode<synchronous>, transform_indices = @transform_2, window_bounds = array<i64: 1, 256>}, {pipeline_mode = #tpu.pipeline_mode<synchronous>, transform_indices = @transform_3, window_bounds = array<i64: 256, 128>}, {transform_indices = @transform_4, window_bounds = array<i64: 2000, 1>}, {transform_indices = @transform_5, window_bounds = array<i64: 2000, 1>}, {transform_indices = @transform_6, window_bounds = array<i64: 2000, 128>}]} {
    %get3A = arith.constant 0 : index
    %get3A_0 = arith.constant 0 : index
    %get3A_1 = arith.constant 0 : index
    %get3A_2 = vector.load %arg1[%get3A, %get3A_0, %get3A_1] : memref<2x2000x128xf32, #tpu.memory_space<vmem>>, vector<2x2000x128xf32>
    %slice3A = vector.extract_strided_slice %get3A_2 {offsets = [0, 0, 0], sizes = [1, 2000, 128], strides = [1, 1, 1]} : vector<2x2000x128xf32> to vector<1x2000x128xf32>
    %squeeze3A = vector.shape_cast %slice3A : vector<1x2000x128xf32> to vector<2000x128xf32>
    %slice3A_3 = vector.extract_strided_slice %get3A_2 {offsets = [1, 0, 0], sizes = [1, 2000, 128], strides = [1, 1, 1]} : vector<2x2000x128xf32> to vector<1x2000x128xf32>
    %squeeze3A_4 = vector.shape_cast %slice3A_3 : vector<1x2000x128xf32> to vector<2000x128xf32>
    %concatenate3A = tpu.concatenate %squeeze3A, %squeeze3A_4 in 1 : vector<2000x128xf32>, vector<2000x128xf32> -> vector<2000x256xf32>
    %get3A_5 = arith.constant 0 : index
    %get3A_6 = arith.constant 0 : index
    %get3A_7 = vector.load %arg5[%get3A_5, %get3A_6] : memref<2000x1xf32, #tpu.memory_space<vmem>>, vector<2000x1xf32>
    %mul3A = vector.broadcast %get3A_7 : vector<2000x1xf32> to vector<2000x256xf32>
    %mul3A_8 = arith.mulf %concatenate3A, %mul3A : vector<2000x256xf32>
    %get3A_9 = arith.constant 0 : index
    %get3A_10 = arith.constant 0 : index
    %get3A_11 = vector.load %arg2[%get3A_9, %get3A_10] : memref<256x256xf32, #tpu.memory_space<vmem>>, vector<256x256xf32>
    %dot_general3A = arith.constant dense<0.000000e+00> : vector<2000x256xf32>
    %dot_general3A_12 = tpu.matmul %mul3A_8, %get3A_11, %dot_general3A {dimension_numbers = #tpu.dot_dimension_numbers<[1], [0], [0], [1], [0, 0, 1, 1], [], []>, transpose_lhs_hint = false} : vector<2000x256xf32>, vector<256x256xf32>, vector<2000x256xf32> -> vector<2000x256xf32>
    %get3A_13 = arith.constant 0 : index
    %get3A_14 = arith.constant 0 : index
    %get3A_15 = vector.load %arg3[%get3A_13, %get3A_14] : memref<1x256xf32, #tpu.memory_space<vmem>>, vector<1x256xf32>
    %add3A = vector.broadcast %get3A_15 : vector<1x256xf32> to vector<2000x256xf32>
    %add3A_16 = arith.addf %dot_general3A_12, %add3A : vector<2000x256xf32>
    %max3A = arith.constant 0.000000e+00 : f32
    %max3A_17 = vector.broadcast %max3A : f32 to vector<2000x256xf32>
    %max3A_18 = arith.maximumf %add3A_16, %max3A_17 : vector<2000x256xf32>
    %get3A_19 = arith.constant 0 : index
    %get3A_20 = arith.constant 0 : index
    %get3A_21 = vector.load %arg6[%get3A_19, %get3A_20] : memref<2000x1xf32, #tpu.memory_space<vmem>>, vector<2000x1xf32>
    %mul3A_22 = vector.broadcast %get3A_21 : vector<2000x1xf32> to vector<2000x256xf32>
    %mul3A_23 = arith.mulf %max3A_18, %mul3A_22 : vector<2000x256xf32>
    %get3A_24 = arith.constant 0 : index
    %get3A_25 = arith.constant 0 : index
    %get3A_26 = vector.load %arg4[%get3A_24, %get3A_25] : memref<256x128xf32, #tpu.memory_space<vmem>>, vector<256x128xf32>
    %dot_general3A_27 = arith.constant dense<0.000000e+00> : vector<2000x128xf32>
    %dot_general3A_28 = tpu.matmul %mul3A_23, %get3A_26, %dot_general3A_27 {dimension_numbers = #tpu.dot_dimension_numbers<[1], [0], [0], [1], [0, 0, 1, 1], [], []>, transpose_lhs_hint = false} : vector<2000x256xf32>, vector<256x128xf32>, vector<2000x128xf32> -> vector<2000x128xf32>
    %swap3A = arith.constant 0 : index
    %swap3A_29 = arith.constant 0 : index
    %swap3A_30 = vector.load %arg7[%swap3A, %swap3A_29] : memref<2000x128xf32, #tpu.memory_space<vmem>>, vector<2000x128xf32>
    tpu.vector_store %arg7[%swap3A, %swap3A_29], %dot_general3A_28 {strides = array<i32>} : memref<2000x128xf32, #tpu.memory_space<vmem>>, vector<2000x128xf32>,
    return
  }
  func.func @transform_0(%arg0: i32) -> (i32, i32, i32) {
    %c0_i32 = arith.constant 0 : i32
    %c0_i32_0 = arith.constant 0 : i32
    %c0_i32_1 = arith.constant 0 : i32
    return %c0_i32, %arg0, %c0_i32_0 : i32, i32, i32
  }
  func.func @transform_1(%arg0: i32) -> (i32, i32) {
    %c0_i32 = arith.constant 0 : i32
    %c0_i32_0 = arith.constant 0 : i32
    %c0_i32_1 = arith.constant 0 : i32
    return %c0_i32, %c0_i32_0 : i32, i32
  }
  func.func @transform_2(%arg0: i32) -> (i32, i32) {
    %c0_i32 = arith.constant 0 : i32
    %c0_i32_0 = arith.constant 0 : i32
    %c0_i32_1 = arith.constant 0 : i32
    return %c0_i32, %c0_i32_0 : i32, i32
  }
  func.func @transform_3(%arg0: i32) -> (i32, i32) {
    %c0_i32 = arith.constant 0 : i32
    %c0_i32_0 = arith.constant 0 : i32
    %c0_i32_1 = arith.constant 0 : i32
    return %c0_i32, %c0_i32_0 : i32, i32
  }
  func.func @transform_4(%arg0: i32) -> (i32, i32) {
    %c0_i32 = arith.constant 0 : i32
    %c0_i32_0 = arith.constant 0 : i32
    return %arg0, %c0_i32 : i32, i32
  }
  func.func @transform_5(%arg0: i32) -> (i32, i32) {
    %c0_i32 = arith.constant 0 : i32
    %c0_i32_0 = arith.constant 0 : i32
    return %arg0, %c0_i32 : i32, i32
  }
  func.func @transform_6(%arg0: i32) -> (i32, i32) {
    %c0_i32 = arith.constant 0 : i32
    %c0_i32_0 = arith.constant 0 : i32
    return %arg0, %c0_i32 : i32, i32
  }
}

module attributes {stable_mosaic.version = 14 : i64} {
  func.func @body(%arg0: i32, %arg1: memref<2x2000x128xf32, #tpu.memory_space<vmem>>, %arg2: memref<1x128xf32, #tpu.memory_space<vmem>>, %arg3: memref<2000x1xf32, #tpu.memory_space<vmem>>, %arg4: memref<2000x128xf32, #tpu.memory_space<vmem>>) attributes {dimension_semantics = [#tpu.dimension_semantics<arbitrary>], iteration_bounds = array<i64: 5>, scalar_prefetch = 0 : i64, scratch_operands = 0 : i64, tpu.core_type = #tpu.core_type<tc>, window_params = [{transform_indices = @transform_0, window_bounds = array<i64: 2, 2000, 128>}, {pipeline_mode = #tpu.pipeline_mode<synchronous>, transform_indices = @transform_1, window_bounds = array<i64: 1, 128>}, {transform_indices = @transform_2, window_bounds = array<i64: 2000, 1>}, {transform_indices = @transform_3, window_bounds = array<i64: 2000, 128>}]} {
    %get3A = arith.constant 0 : index
    %get3A_0 = arith.constant 0 : index
    %get3A_1 = arith.constant 0 : index
    %get3A_2 = vector.load %arg1[%get3A, %get3A_0, %get3A_1] : memref<2x2000x128xf32, #tpu.memory_space<vmem>>, vector<2x2000x128xf32>
    %slice3A = vector.extract_strided_slice %get3A_2 {offsets = [0, 0, 0], sizes = [1, 2000, 128], strides = [1, 1, 1]} : vector<2x2000x128xf32> to vector<1x2000x128xf32>
    %squeeze3A = vector.shape_cast %slice3A : vector<1x2000x128xf32> to vector<2000x128xf32>
    %slice3A_3 = vector.extract_strided_slice %get3A_2 {offsets = [1, 0, 0], sizes = [1, 2000, 128], strides = [1, 1, 1]} : vector<2x2000x128xf32> to vector<1x2000x128xf32>
    %squeeze3A_4 = vector.shape_cast %slice3A_3 : vector<1x2000x128xf32> to vector<2000x128xf32>
    %add3A = arith.addf %squeeze3A, %squeeze3A_4 : vector<2000x128xf32>
    %get3A_5 = arith.constant 0 : index
    %get3A_6 = arith.constant 0 : index
    %get3A_7 = vector.load %arg3[%get3A_5, %get3A_6] : memref<2000x1xf32, #tpu.memory_space<vmem>>, vector<2000x1xf32>
    %mul3A = vector.broadcast %get3A_7 : vector<2000x1xf32> to vector<2000x128xf32>
    %mul3A_8 = arith.mulf %add3A, %mul3A : vector<2000x128xf32>
    %get3A_9 = arith.constant 0 : index
    %get3A_10 = arith.constant 0 : index
    %get3A_11 = vector.load %arg2[%get3A_9, %get3A_10] : memref<1x128xf32, #tpu.memory_space<vmem>>, vector<1x128xf32>
    %add3A_12 = vector.broadcast %get3A_11 : vector<1x128xf32> to vector<2000x128xf32>
    %add3A_13 = arith.addf %mul3A_8, %add3A_12 : vector<2000x128xf32>
    %swap3A = arith.constant 0 : index
    %swap3A_14 = arith.constant 0 : index
    %swap3A_15 = vector.load %arg4[%swap3A, %swap3A_14] : memref<2000x128xf32, #tpu.memory_space<vmem>>, vector<2000x128xf32>
    tpu.vector_store %arg4[%swap3A, %swap3A_14], %add3A_13 {strides = array<i32>} : memref<2000x128xf32, #tpu.memory_space<vmem>>, vector<2000x128xf32>,
    return
  }
  func.func @transform_0(%arg0: i32) -> (i32, i32, i32) {
    %c0_i32 = arith.constant 0 : i32
    %c0_i32_0 = arith.constant 0 : i32
    %c0_i32_1 = arith.constant 0 : i32
    return %c0_i32, %arg0, %c0_i32_0 : i32, i32, i32
  }
  func.func @transform_1(%arg0: i32) -> (i32, i32) {
    %c0_i32 = arith.constant 0 : i32
    %c0_i32_0 = arith.constant 0 : i32
    %c0_i32_1 = arith.constant 0 : i32
    return %c0_i32, %c0_i32_0 : i32, i32
  }
  func.func @transform_2(%arg0: i32) -> (i32, i32) {
    %c0_i32 = arith.constant 0 : i32
    %c0_i32_0 = arith.constant 0 : i32
    return %arg0, %c0_i32 : i32, i32
  }
  func.func @transform_3(%arg0: i32) -> (i32, i32) {
    %c0_i32 = arith.constant 0 : i32
    %c0_i32_0 = arith.constant 0 : i32
    return %arg0, %c0_i32 : i32, i32
  }
}

</mosaic_0001>

<sc_bundles>
// kernel: kernel.10.cloned.1.call-start
scs
__scs_entry_jumppad:
0x0: {  	(pc) =	sbr.rel $0x88, $3  }
0x1: {  	(tag) =	ssettag $0x0;
	lr =	simm.s32 $0x1  }
0x2: {  	[smem:$0x3F99] =	sst lr;
	_ =	strace $0xD0000000  }
0x3: {  	_ = 	snop  }
0x4: {  	_ = 	snop  }
0x5: {  	_ = 	snop  }
0x6: {  	_ = 	snop  }
0x7: {  	_ = 	snop  }
__scs_overlays_trampoline_lowered:
0x8: {  	[smem:$0x3FA8] =	sst s0  }
0x9: {  	[smem:$0x3FA9] =	sst s1  }
0xa: {  	[smem:$0x3FAA] =	sst s2  }
0xb: {  	[smem:$0x3FAB] =	sst s3  }
0xc: {  	[smem:$0x3FAC] =	sst s4  }
0xd: {  	[smem:$0x3FAD] =	sst s5  }
0xe: {  	[smem:$0x3FAE] =	sst s6  }
0xf: {  	[smem:$0x3FAF] =	sst s7  }
0x10: {  	[smem:$0x3FB0] =	sst s8  }
0x11: {  	[smem:$0x3FB1] =	sst s9;
	s0 =	simm.s32 @!p0 $0x0  }
0x12: {  	s1 =	sld [smem:$0x3F97];
	s0 =	simm.s32 @p0 $0x1  }
0x13: {  	[smem:$0x3FB2] =	sst s0;
	s0 =	simm.s32 @!p1 $0x0  }
0x14: {  	s2 =	sld [smem:$0x3F96];
	s0 =	simm.s32 @p1 $0x1  }
0x15: {  	[smem:$0x3FB3] =	sst s0;
	s0 =	simm.s32 @!p2 $0x0  }
0x16: {  	s3 =	sld [smem:$0x3FDB];
	s0 =	simm.s32 @p2 $0x1  }
0x17: {  	s4 =	simm.s32 $0x1BF5;
	[smem:$0x3FB5] =	sst s0  }
0x18: {  	s0 =	sld [smem:$0x3F98];
	_ =	swait.ge [sflag:s4], $0x0  }
0x19: {  	s7 =	sld [smem:$0x3F99]  }
0x1a: {  	s8 =	sadd.s32 $0xFFFFE003, lr  }
0x1b: {  	s9 =	sadd.s32 $0xFFFFFEF7, lr;
	s5 =	simm.s32 $0xFFFFFFFF;
	p2 =	slt.u32 s8, $0xFFFFF086  }
0x1c: {  	p1 =	slt.u32 s9, $0xF7A;
	s5 =	simm.s32 @!p2 $0x0  }
0x1d: {  	s5 =	simm.s32 @p1 $0x1;
	p0 =	seq.s32 s7, s2  }
0x1e: {  	s7 =	smul.u32 @!p0 $0xF7A, s2;
	p2 =	seq.s32 @!p0 s5, $0x0  }
0x1f: {  	s9 =	smul.u32 $0xF7A, s1;
	s8 =	simm.s32 @!p0 $0x1BF5;
	p2 =	por !p2, p0  }
0x20: {  	[sflag:s8] =	ssyncset.s32 @!p0 $0xFFFFF086;
	s6 =	sadd.s32 @!p0 s3, s7;
	s7 =	simm.s32 @!p0 $0x108  }
0x21: {  	s3 =	sadd.s32 s3, s9;
	s6 =	sadd.s32 @!p0 $0x88, s6;
	s7 =	simm.s32 @p2 $0x1082  }
0x22: {  	[simem:s7], [sflag:s8] =	dma.local @!p0 [hbm:s6], $0xF7A  }
0x23: {  	s9 =	sor.u32 $0xD0000000, s2;
	s6 =	simm.s32 $0x108;
	_ =	swait.ge @!p0 [sflag:s8], $0x0  }
0x24: {  	s3 =	sadd.s32 $0x88, s3;
	s6 =	simm.s32 @!p1 $0x1082;
	[sflag:s4] =	ssyncset.s32 $0xFFFFF086  }
0x25: {  	[simem:s6], [sflag:s4] =	dma.local [hbm:s3], $0xF7A  }
0x26: {  	[smem:$0x3F99] =	sst s1;
	(tag) =	ssettag s2;
	_ =	strace s9  }
0x27: {  	s1 =	sld [smem:$0x3FA9]  }
0x28: {  	s2 =	sld [smem:$0x3FAA]  }
0x29: {  	s4 =	sld [smem:$0x3FAC]  }
0x2a: {  	p0 =	seq.s32 s5, $0x0;
	s5 =	sld [smem:$0x3FAD]  }
0x2b: {  	s6 =	sld [smem:$0x3FAE]  }
0x2c: {  	s7 =	sld [smem:$0x3FAF]  }
0x2d: {  	s3 =	simm.s32 $0x108;
	s8 =	sld [smem:$0x3FB0]  }
0x2e: {  	s3 =	simm.s32 @!p0 $0x1082;
	s9 =	sld [smem:$0x3FB1]  }
0x2f: {  	lr =	sadd.s32 s0, s3;
	s0 =	sld [smem:$0x3FA8]  }
0x30: {  	s3 =	sld [smem:$0x3FAB]  }
0x31: {  	[smem:$0x3FB4] =	sst s10  }
0x32: {  	s10 =	sld [smem:$0x3FB2];
	_ =	sdelay $0x3  }
0x33: {  	p0 =	seq.s32 s10, $0x1;
	s10 =	sld [smem:$0x3FB4];
	_ =	sdelay $0x3  }
0x34: {  	[smem:$0x3FB4] =	sst s10  }
0x35: {  	s10 =	sld [smem:$0x3FB3];
	_ =	sdelay $0x3  }
0x36: {  	p1 =	seq.s32 s10, $0x1;
	s10 =	sld [smem:$0x3FB4];
	_ =	sdelay $0x3  }
0x37: {  	[smem:$0x3FB4] =	sst s10  }
0x38: {  	s10 =	sld [smem:$0x3FB5]  }
0x39: {  	_ = 	snop;
	(pc) =	sbr.ind lr, $3  }
0x3a: {  	_ = 	snop  }
0x3b: {  	_ = 	snop  }
0x3c: {  	p2 =	seq.s32 s10, $0x1;
	s10 =	sld [smem:$0x3FB4]  }
0x3d: {  	_ =	shalt  }
0x3e: {  	_ =	shalt  }
0x3f: {  	_ =	shalt  }
0x40: {  	_ =	shalt  }
0x41: {  	_ =	shalt  }
0x42: {  	_ =	shalt  }
0x43: {  	_ =	shalt  }
0x44: {  	_ =	shalt  }
0x45: {  	_ =	shalt  }
0x46: {  	_ =	shalt  }
0x47: {  	_ =	shalt  }
0x48: {  	_ =	shalt  }
0x49: {  	_ =	shalt  }
0x4a: {  	_ =	shalt  }
0x4b: {  	_ =	shalt  }
0x4c: {  	_ =	shalt  }
0x4d: {  	_ =	shalt  }
0x4e: {  	_ =	shalt  }
0x4f: {  	_ =	shalt  }
0x50: {  	_ =	shalt  }
0x51: {  	_ =	shalt  }
0x52: {  	_ =	shalt  }
0x53: {  	_ =	shalt  }
0x54: {  	_ =	shalt  }
0x55: {  	_ =	shalt  }
0x56: {  	_ =	shalt  }
0x57: {  	_ =	shalt  }
0x58: {  	_ =	shalt  }
0x59: {  	_ =	shalt  }
0x5a: {  	_ =	shalt  }
0x5b: {  	_ =	shalt  }
0x5c: {  	_ =	shalt  }
0x5d: {  	_ =	shalt  }
0x5e: {  	_ =	shalt  }
0x5f: {  	_ =	shalt  }
0x60: {  	_ =	shalt  }
0x61: {  	_ =	shalt  }
0x62: {  	_ =	shalt  }
0x63: {  	_ =	shalt  }
0x64: {  	_ =	shalt  }
0x65: {  	_ =	shalt  }
0x66: {  	_ =	shalt  }
0x67: {  	_ =	shalt  }
0x68: {  	_ =	shalt  }
0x69: {  	_ =	shalt  }
0x6a: {  	_ =	shalt  }
0x6b: {  	_ =	shalt  }
0x6c: {  	_ =	shalt  }
0x6d: {  	_ =	shalt  }
0x6e: {  	_ =	shalt  }
0x6f: {  	_ =	shalt  }
0x70: {  	_ =	shalt  }
0x71: {  	_ =	shalt  }
0x72: {  	_ =	shalt  }
0x73: {  	_ =	shalt  }
0x74: {  	_ =	shalt  }
0x75: {  	_ =	shalt  }
0x76: {  	_ =	shalt  }
0x77: {  	_ =	shalt  }
0x78: {  	_ =	shalt  }
0x79: {  	_ =	shalt  }
0x7a: {  	_ =	shalt  }
0x7b: {  	_ =	shalt  }
0x7c: {  	_ =	shalt  }
0x7d: {  	_ =	shalt  }
0x7e: {  	_ =	shalt  }
0x7f: {  	_ =	shalt  }
0x80: {  	_ =	shalt  }
0x81: {  	_ =	shalt  }
0x82: {  	_ =	shalt  }
0x83: {  	_ =	shalt  }
0x84: {  	_ =	shalt  }
0x85: {  	_ =	shalt  }
0x86: {  	_ =	shalt  }
0x87: {  	_ =	shalt  }
.Lfunc_end0:
.L_simem_size_0:
called_computation_lowered:
.L_overlay_start_0:
0x88: {  	s2 =	sld [smem:$0x3FD9]  }
0x89: {  	s3 =	sld [smem:$0x3FFE];
	_ =	sdelay $0x1  }
0x8a: {  	s1 =	srdreg.scid  }
0x8b: {  	s0 =	sand.u32 $0x1, s1  }
0x8c: {  	s17 =	sshll.u32 s0, $0xA;
	s2 =	sadd.s32 s3, s2  }
0x8d: {  	s2 =	sadd.s32 s2, s17  }
0x8e: {  	[smem:$0x3FC0] =	sst s2  }
0x8f: {  	_ = 	snop  }
0x90: {  	s2 =	sld [smem:$0x3FD0];
	(tm) =	ssettm $0x1  }
0x91: {  	s18 =	sld [smem:$0x3FFB];
	_ =	sdelay $0x3  }
0x92: {  	_ =	strace s18  }
0x93: {  	s3 =	sld [smem:$0x3FFC];
	_ =	sdelay $0x3  }
0x94: {  	_ =	strace s3  }
0x95: {  	s3 =	sld [smem:$0x3FFD];
	_ =	sdelay $0x3  }
0x96: {  	_ =	strace s3  }
0x97: {  	_ =	strace $0x8FFFFFFF  }
0x98: {  	s19 =	sld [smem:$0x3FDB];
	_ =	sdelay $0x1  }
0x99: {  	s4 =	simm.s32 $_scs_section_size  }
0x9a: {  	s5 =	simm.s32 $_size__tile_overlayer_lowered;
	s6 =	simm.s32 $_tile_overlayer_lowered  }
0x9b: {  	s22 =	simm.s32 $0x1BFF;
	s21 =	sshll.u32 s6, $0x1;
	s3 =	sadd.s32 s4, s19  }
0x9c: {  	s7 =	simm.s32 $0x0;
	s20 =	sshll.u32 s5, $0x1;
	s5 =	sadd.s32 s21, s3  }
0x9d: {  	[timem:s7], [sflag:s22] =	dma.local [hbm:s5], s20  }
0x9e: {  	_ =	swait.ge [sflag:s22], s20  }
0x9f: {  	s4 =	ssub.s32 $0x0, s20;
	[sflag:s22] =	ssyncset.done $0x0  }
0xa0: {  	[sflag:s22] =	ssyncadd.s32 s4;
	_ =	sdelay $0x1  }
0xa1: {  	s23 =	simm.s32 $0x1B8B  }
0xa2: {  	_ =	swait.ge [sflag:s23], $0x1  }
0xa3: {  	[sflag:s23] =	ssyncset.done $0x0  }
0xa4: {  	s25 =	simm.s32 $0x1B8E;
	s24 =	sld [smem:$0x3FFE];
	[sflag:s23] =	ssyncadd.s32 $0xFFFFFFFF  }
0xa5: {  	s26 =	simm.s32 $execute0_lowered;
	[smem:$0x3FD2] =	sst s25  }
0xa6: {  	s5 =	sshll.u32 s26, $0x1;
	_ =	strace $0x80000046;
	[dreg:$0x1] =	wrdreg $0xFFFFFFFF  }
0xa7: {  	s28 =	simm.s32 $_size_execute0_lowered;
	s3 =	sadd.s32 s3, s5;
	[dreg:$0x0] =	wrdreg $0x0  }
0xa8: {  	s5 =	sshll.u32 s28, $0x1;
	[dreg:$0x2] =	wrdreg s3  }
0xa9: {  	[dreg:$0x3] =	wrdreg s5  }
0xaa: {  	[dreg:$0x4] =	wrdreg $0xC0  }
0xab: {  	_ =	task [dreg:s7], $0x5FFFF  }
0xac: {  	[dreg:$0x1] =	wrdreg $0xFFFFFFFF  }
0xad: {  	[dreg:$0x0] =	wrdreg $0x60  }
0xae: {  	[dreg:$0x2] =	wrdreg s24  }
0xaf: {  	[dreg:$0x3] =	wrdreg s2  }
0xb0: {  	[dreg:$0x4] =	wrdreg $0x10800  }
0xb1: {  	[dreg:$0x5] =	wrdreg $0x13000  }
0xb2: {  	[dreg:$0x6] =	wrdreg $0x9  }
0xb3: {  	_ =	task.clear_ibuf [dreg:s7], $0x7FFFF;
	_ =	strace $0x90000046  }
0xb4: {  	s29 =	simm.s32 $0x9;
	_ =	strace $0x80000048  }
0xb5: {  	_ =	swait.ge [sflag:s29], $0x1  }
0xb6: {  	[sflag:s29] =	ssyncadd.s32 $0xFFFFFFFF  }
0xb7: {  	_ =	strace $0x90000048  }
0xb8: {  	_ =	sfence  }
0xb9: {  	s30 =	sld [smem:$0x0];
	_ =	sdelay $0x2  }
0xba: {  	s31 =	sshll.u32 s1, $0xD;
	s1 =	sshrl.u32 s1, $0x2  }
0xbb: {  	s3 =	sand.u32 $0x4000, s31;
	s1 =	sadd.s32 s1, s30  }
0xbc: {  	s0 =	sor.u32 s3, s0;
	s1 =	sshll.u32 s1, $0x11  }
0xbd: {  	s0 =	sor.u32 s1, s0  }
0xbe: {  	s0 =	sadd.s32 $0x8F2B, s0  }
0xbf: {  	[sflag:s0] =	ssyncadd.remote.s32 $0x1  }
0xc0: {  	_ =	sfence.sel $0xFFFF  }
0xc1: {  	[dreg:$0x0] =	wrdreg $0xFFFFFFFF;
	(pc) =	sbr.abs _section_cstart, $3  }
0xc2: {  	[dreg:$0x1] =	wrdreg $0xFFFFFFFF  }
0xc3: {  	_ =	task.clear_ibuf [dreg:s7], $0x2FFFF;
	_ =	strace $0x9FFFFFFF  }
0xc4: {  	(tm) =	ssettm $0x7FFFFFFF  }
0xc5: {  	_ =	shalt  }
tec
execute0_lowered:
.L_overlay_start_1:
0x0: {  	(tag) =	ssettag $0x1  }
0x1: {  	s7 =	rddreg [dreg:$0x0]  }
0x2: {  	s10 =	rddreg [dreg:$0x1]  }
0x3: {  	s1 =	rddreg [dreg:$0x2]  }
0x4: {  	s2 =	rddreg [dreg:$0x3]  }
0x5: {  	s0 =	rddreg [dreg:$0x4];
	s4 =	simm.s32 $0x0;
	s6 =	srdreg.scid  }
0x6: {  	s3 =	stileid.u32;
	s17 =	simm.s32 $0x7D;
	s18 =	simm.s32 $0x1000  }
0x7: {  	[smem:$0x7FF] =	sst s4;
	s5 =	sadd.s32 $0x2600, s7;
	s9 =	smul.u32 $0x280, s3  }
0x8: {  	s8 =	sand.u32 $0x1, s6;
	s6 =	sadd.s32 $0xC600, s7;
	s12 =	smul.u32 $0x500, s3  }
0x9: {  	s14 =	sshll.u32 s3, $0x1;
	s7 =	sadd.s32 $0x16600, s7;
	s31 =	sshll.u32 s3, $0x6  }
0xa: {  	p0 =	sgt.u32 s3, $0x7;
	_ =	strace $0x80000047;
	s11 =	ssub.s32 $0x2, s8  }
0xb: {  	s15 =	smul.u32 $0x5000, s8;
	s29 =	sor.u32 s8, s14;
	s8 =	sor.u32 $0x1C01, s31  }
0xc: {  	s14 =	simm.s32 $0x1;
	s13 =	sshrl.u32 s11, $0x1;
	s30 =	sadd.s32 s9, s1  }
0xd: {  	s16 =	sadd.s32 s9, s2;
	s9 =	smul.u32 $0x2800, s29;
	s19 =	sadd.s32 s12, s1  }
0xe: {  	s20 =	sadd.s32 s12, s2;
	s13 =	ssub.s32 s11, s13;
	s15 =	sadd.s32 s12, s15  }
0xf: {  	s19 =	sshrl.u32 @!p0 s19, $0x3;
	s20 =	sshrl.u32 @!p0 s20, $0x3;
	s15 =	sshrl.u32 s15, $0x3  }
0x10: {  	s12 =	smax.u32 s13, $0x1;
	s13 =	sshrl.u32 s30, $0x3;
	s10 =	sadd.s32 s10, s15  }
0x11: {  	v0 =	vimm.f32 $1.000000000e+00;
	s15 =	sshrl.u32 s16, $0x3;
	s16 =	simm.s32 $0x800;
	s11 =	sadd.s32 $0x500, s10  }
.LBB2_1:
0x12: {  	[tilespmem:$0x1000] =	vst v0  }
0x13: {  	[tilespmem:$0x1010] =	vst v0  }
0x14: {  	[tilespmem:$0x1020] =	vst v0  }
0x15: {  	[tilespmem:$0x1030] =	vst v0  }
0x16: {  	[tilespmem:$0x1040] =	vst v0  }
0x17: {  	[tilespmem:$0x1050] =	vst v0  }
0x18: {  	[tilespmem:$0x1060] =	vst v0  }
0x19: {  	[tilespmem:$0x1070] =	vst v0  }
0x1a: {  	[spmem:s13], [sflag:s8] =	dma.local [hbm:s7], $0x50  }
0x1b: {  	_ =	swait.ge [sflag:s14], $0x50  }
0x1c: {  	[sflag:s14] =	ssyncset.done $0x0  }
0x1d: {  	[sflag:s14] =	ssyncadd.s32 $0xFFFFFFB0  }
0x1e: {  	[spmem:s15], [sflag:s8] =	dma.local [hbm:s7], $0x50  }
0x1f: {  	_ =	swait.ge [sflag:s14], $0x50  }
0x20: {  	[sflag:s14] =	ssyncset.done $0x0  }
0x21: {  	[sflag:s14] =	ssyncadd.s32 $0xFFFFFFB0  }
0x22: {  	s21 =	simm.s32 $0x0;
	[bflag:$0x0] =	sbarrier.arrive $0xFFFF  }
.LBB2_2:
0x23: {  	s22 =	sshll.u32 s21, $0xB  }
0x24: {  	s22 =	sadd.s32 s9, s22  }
0x25: {  	s22 =	sshrl.u32 s22, $0x3  }
0x26: {  	s24 =	simm.s32 $0x0;
	s23 =	sadd.s32 s5, s22  }
0x27: {  	[tilespmem:s24], [sflag:$0x1] =	stream.linear.gather [hbm4b:s23+s24], $0x800, $0x38;
	[tilespmem:$0x1580] =	vst v63  }
0x28: {  	_ =	swait.ge [sflag:s14], $0x800  }
0x29: {  	[sflag:s14] =	ssyncset.done $0x0  }
0x2a: {  	s22 =	sadd.s32 s6, s22;
	[sflag:s14] =	ssyncadd.s32 $0xFFFFF800  }
0x2b: {  	[tilespmem:s16], [sflag:$0x1] =	stream.linear.gather [hbm4b:s22+s24], $0x800, $0x38;
	[tilespmem:$0x1580] =	vst v63  }
0x2c: {  	_ =	swait.ge [sflag:s14], $0x800  }
0x2d: {  	[sflag:s14] =	ssyncset.done $0x0  }
0x2e: {  	s30 =	simm.s32 $0x0;
	[sflag:s14] =	ssyncadd.s32 $0xFFFFF800  }
0x2f: {  	[spmem:s1] =	stream.indirect.scatter.add.f32 [tilespmem:s18], [sflag:$0x1], $0x1, s30, s17, $0xb8;
	[tilespmem:$0x1580] =	vst v63  }
0x30: {  	_ =	swait.ge [sflag:s14], $0x7D  }
0x31: {  	[sflag:s14] =	ssyncset.done $0x0  }
0x32: {  	s31 =	simm.s32 $0x800;
	[sflag:s14] =	ssyncadd.s32 $0xFFFFFF83  }
0x33: {  	[spmem:s2] =	stream.indirect.scatter.add.f32 [tilespmem:s18], [sflag:$0x1], $0x1, s31, s17, $0xb8;
	[tilespmem:$0x1580] =	vst v63  }
0x34: {  	_ =	swait.ge [sflag:s14], $0x7D  }
0x35: {  	s23 =	simm.s32 $0x400;
	s22 =	simm.s32 $0x200;
	[sflag:s14] =	ssyncset.done $0x0  }
.LBB2_3:
0x36: {  	s24 =	sshra.s32 s22, $0x2  }
0x37: {  	[sflag:s14] =	ssyncadd.s32 $0xFFFFFF83;
	s22 =	smov.u32 s23;
	s25 =	sadd.s32 $0x200, s23  }
0x38: {  	[spmem:s1] =	stream.indirect.scatter.add.f32 [tilespmem:s18], [sflag:$0x1], $0x1, s24, s17, $0xb8;
	[tilespmem:$0x1580] =	vst v63  }
0x39: {  	p1 =	sne.s32 s23, $0x1E00;
	_ =	swait.ge [sflag:s14], $0x7D  }
.Ltmp0:
0x3a: {  	[sflag:s14] =	ssyncset.done $0x0;
	(pc) =	sbr.rel @p1 .LBB2_3-.Ltmp0, $4  }
0x3b: {  	s23 =	sadd.s32 $0x800, s24;
	[sflag:s14] =	ssyncadd.s32 $0xFFFFFF83  }
0x3c: {  	[spmem:s2] =	stream.indirect.scatter.add.f32 [tilespmem:s18], [sflag:$0x1], $0x1, s23, s17, $0xb8;
	[tilespmem:$0x1580] =	vst v63  }
0x3d: {  	_ =	swait.ge [sflag:s14], $0x7D  }
0x3e: {  	s23 =	smov.u32 s25;
	[sflag:s14] =	ssyncset.done $0x0  }
0x3f: {  	s22 =	sshra.s32 s22, $0x2;
	[sflag:s14] =	ssyncadd.s32 $0xFFFFFF83  }
0x40: {  	[spmem:s1] =	stream.indirect.scatter.add.f32 [tilespmem:s18], [sflag:$0x1], $0x1, s22, s17, $0xb8;
	[tilespmem:$0x1580] =	vst v63  }
0x41: {  	s21 =	sadd.s32 $0x1, s21;
	_ =	swait.ge [sflag:s14], $0x7D  }
0x42: {  	p1 =	sne.s32 s21, $0x5;
	[sflag:s14] =	ssyncset.done $0x0  }
.Ltmp1:
0x43: {  	s22 =	sadd.s32 $0x800, s22;
	[sflag:s14] =	ssyncadd.s32 $0xFFFFFF83;
	(pc) =	sbr.rel @p1 .LBB2_2-.Ltmp1, $4  }
0x44: {  	[spmem:s2] =	stream.indirect.scatter.add.f32 [tilespmem:s18], [sflag:$0x1], $0x1, s22, s17, $0xb8;
	[tilespmem:$0x1580] =	vst v63  }
0x45: {  	_ =	swait.ge [sflag:s14], $0x7D  }
0x46: {  	[sflag:s14] =	ssyncset.done $0x0  }
0x47: {  	[sflag:s14] =	ssyncadd.s32 $0xFFFFFF83  }
0x48: {  	[bflag:$0x0] =	sbarrier.arrive $0xFFFF;
	s21 =	simm.s32 @!p0 $0x1  }
0x49: {  	[hbm:s10], [sflag:s8] =	dma.local @!p0 [spmem:s19], $0xA0  }
0x4a: {  	s4 =	sadd.s32 $0x1, s4;
	_ =	swait.ge @!p0 [sflag:s21], $0xA0  }
0x4b: {  	p1 =	sne.s32 s4, s12;
	[sflag:s21] =	ssyncset.done @!p0 $0x0  }
.Ltmp2:
0x4c: {  	[sflag:s21] =	ssyncadd.s32 @!p0 $0xFFFFFF60;
	(pc) =	sbr.rel @p1 .LBB2_1-.Ltmp2, $4  }
0x4d: {  	[hbm:s11], [sflag:s8] =	dma.local @!p0 [spmem:s20], $0xA0  }
0x4e: {  	_ =	swait.ge @!p0 [sflag:s21], $0xA0  }
0x4f: {  	[sflag:s21] =	ssyncset.done @!p0 $0x0  }
0x50: {  	[sflag:s21] =	ssyncadd.s32 @!p0 $0xFFFFFF60  }
0x51: {  	_ =	sfence.sel $0x180000  }
0x52: {  	[bflag:$0x0] =	sbarrier.arrive $0xFFFF  }
0x53: {  	p0 =	sne.s32 s3, $0x0;
	_ =	strace $0x90000047  }
0x54: {  	s0 =	sadd.s32 @!p0 $0x100000, s0;
	[bflag:$0x2] =	sbarrier.arrive $0xFFFF  }
0x55: {  	[sflag:s0] =	ssyncadd.tile.s32 @!p0 $0x1;
	_ =	shalt  }
.Lfunc_end2:
_tile_overlayer_lowered:
.L_overlay_start_2:
0x56: {  	(tag) =	ssettag $0x2  }
0x57: {  	s0 =	rddreg [dreg:$0x0];
	s2 =	stileid.u32  }
0x58: {  	s1 =	rddreg [dreg:$0x1];
	p0 =	sne.s32 s2, $0x0  }
0x59: {  	s3 =	rddreg [dreg:$0x2];
	[bflag:$0x3] =	sbarrier.arrive $0xFFFF;
	s2 =	simm.s32 @!p0 $0x1C01  }
0x5a: {  	[timem:s3], [sflag:s2] =	dma.local @!p0 [hbm:s0], s1  }
0x5b: {  	s0 =	simm.s32 @!p0 $0x1  }
0x5c: {  	_ =	swait.ge @!p0 [sflag:s0], s1  }
0x5d: {  	s1 =	ssub.s32 @!p0 $0x0, s1;
	[sflag:s0] =	ssyncset.done @!p0 $0x0  }
0x5e: {  	[sflag:s0] =	ssyncadd.s32 @!p0 s1  }
0x5f: {  	[bflag:$0x3] =	sbarrier.arrive $0xFFFF  }
0x60: {  	_ =	shalt  }

// kernel: kernel.13.cloned.1.call-start
scs
__scs_entry_jumppad:
0x0: {  	(pc) =	sbr.rel $0x88, $3  }
0x1: {  	(tag) =	ssettag $0x0;
	lr =	simm.s32 $0x1  }
0x2: {  	[smem:$0x3F99] =	sst lr;
	_ =	strace $0xD0000000  }
0x3: {  	_ = 	snop  }
0x4: {  	_ = 	snop  }
0x5: {  	_ = 	snop  }
0x6: {  	_ = 	snop  }
0x7: {  	_ = 	snop  }
__scs_overlays_trampoline_lowered:
0x8: {  	[smem:$0x3FA8] =	sst s0  }
0x9: {  	[smem:$0x3FA9] =	sst s1  }
0xa: {  	[smem:$0x3FAA] =	sst s2  }
0xb: {  	[smem:$0x3FAB] =	sst s3  }
0xc: {  	[smem:$0x3FAC] =	sst s4  }
0xd: {  	[smem:$0x3FAD] =	sst s5  }
0xe: {  	[smem:$0x3FAE] =	sst s6  }
0xf: {  	[smem:$0x3FAF] =	sst s7  }
0x10: {  	[smem:$0x3FB0] =	sst s8  }
0x11: {  	[smem:$0x3FB1] =	sst s9;
	s0 =	simm.s32 @!p0 $0x0  }
0x12: {  	s1 =	sld [smem:$0x3F97];
	s0 =	simm.s32 @p0 $0x1  }
0x13: {  	[smem:$0x3FB2] =	sst s0;
	s0 =	simm.s32 @!p1 $0x0  }
0x14: {  	s2 =	sld [smem:$0x3F96];
	s0 =	simm.s32 @p1 $0x1  }
0x15: {  	[smem:$0x3FB3] =	sst s0;
	s0 =	simm.s32 @!p2 $0x0  }
0x16: {  	s3 =	sld [smem:$0x3FDB];
	s0 =	simm.s32 @p2 $0x1  }
0x17: {  	s4 =	simm.s32 $0x1BF5;
	[smem:$0x3FB5] =	sst s0  }
0x18: {  	s0 =	sld [smem:$0x3F98];
	_ =	swait.ge [sflag:s4], $0x0  }
0x19: {  	s7 =	sld [smem:$0x3F99]  }
0x1a: {  	s8 =	sadd.s32 $0xFFFFE003, lr  }
0x1b: {  	s9 =	sadd.s32 $0xFFFFFEF7, lr;
	s5 =	simm.s32 $0xFFFFFFFF;
	p2 =	slt.u32 s8, $0xFFFFF086  }
0x1c: {  	p1 =	slt.u32 s9, $0xF7A;
	s5 =	simm.s32 @!p2 $0x0  }
0x1d: {  	s5 =	simm.s32 @p1 $0x1;
	p0 =	seq.s32 s7, s2  }
0x1e: {  	s7 =	smul.u32 @!p0 $0xF7A, s2;
	p2 =	seq.s32 @!p0 s5, $0x0  }
0x1f: {  	s9 =	smul.u32 $0xF7A, s1;
	s8 =	simm.s32 @!p0 $0x1BF5;
	p2 =	por !p2, p0  }
0x20: {  	[sflag:s8] =	ssyncset.s32 @!p0 $0xFFFFF086;
	s6 =	sadd.s32 @!p0 s3, s7;
	s7 =	simm.s32 @!p0 $0x108  }
0x21: {  	s3 =	sadd.s32 s3, s9;
	s6 =	sadd.s32 @!p0 $0x88, s6;
	s7 =	simm.s32 @p2 $0x1082  }
0x22: {  	[simem:s7], [sflag:s8] =	dma.local @!p0 [hbm:s6], $0xF7A  }
0x23: {  	s9 =	sor.u32 $0xD0000000, s2;
	s6 =	simm.s32 $0x108;
	_ =	swait.ge @!p0 [sflag:s8], $0x0  }
0x24: {  	s3 =	sadd.s32 $0x88, s3;
	s6 =	simm.s32 @!p1 $0x1082;
	[sflag:s4] =	ssyncset.s32 $0xFFFFF086  }
0x25: {  	[simem:s6], [sflag:s4] =	dma.local [hbm:s3], $0xF7A  }
0x26: {  	[smem:$0x3F99] =	sst s1;
	(tag) =	ssettag s2;
	_ =	strace s9  }
0x27: {  	s1 =	sld [smem:$0x3FA9]  }
0x28: {  	s2 =	sld [smem:$0x3FAA]  }
0x29: {  	s4 =	sld [smem:$0x3FAC]  }
0x2a: {  	p0 =	seq.s32 s5, $0x0;
	s5 =	sld [smem:$0x3FAD]  }
0x2b: {  	s6 =	sld [smem:$0x3FAE]  }
0x2c: {  	s7 =	sld [smem:$0x3FAF]  }
0x2d: {  	s3 =	simm.s32 $0x108;
	s8 =	sld [smem:$0x3FB0]  }
0x2e: {  	s3 =	simm.s32 @!p0 $0x1082;
	s9 =	sld [smem:$0x3FB1]  }
0x2f: {  	lr =	sadd.s32 s0, s3;
	s0 =	sld [smem:$0x3FA8]  }
0x30: {  	s3 =	sld [smem:$0x3FAB]  }
0x31: {  	[smem:$0x3FB4] =	sst s10  }
0x32: {  	s10 =	sld [smem:$0x3FB2];
	_ =	sdelay $0x3  }
0x33: {  	p0 =	seq.s32 s10, $0x1;
	s10 =	sld [smem:$0x3FB4];
	_ =	sdelay $0x3  }
0x34: {  	[smem:$0x3FB4] =	sst s10  }
0x35: {  	s10 =	sld [smem:$0x3FB3];
	_ =	sdelay $0x3  }
0x36: {  	p1 =	seq.s32 s10, $0x1;
	s10 =	sld [smem:$0x3FB4];
	_ =	sdelay $0x3  }
0x37: {  	[smem:$0x3FB4] =	sst s10  }
0x38: {  	s10 =	sld [smem:$0x3FB5]  }
0x39: {  	_ = 	snop;
	(pc) =	sbr.ind lr, $3  }
0x3a: {  	_ = 	snop  }
0x3b: {  	_ = 	snop  }
0x3c: {  	p2 =	seq.s32 s10, $0x1;
	s10 =	sld [smem:$0x3FB4]  }
0x3d: {  	_ =	shalt  }
0x3e: {  	_ =	shalt  }
0x3f: {  	_ =	shalt  }
0x40: {  	_ =	shalt  }
0x41: {  	_ =	shalt  }
0x42: {  	_ =	shalt  }
0x43: {  	_ =	shalt  }
0x44: {  	_ =	shalt  }
0x45: {  	_ =	shalt  }
0x46: {  	_ =	shalt  }
0x47: {  	_ =	shalt  }
0x48: {  	_ =	shalt  }
0x49: {  	_ =	shalt  }
0x4a: {  	_ =	shalt  }
0x4b: {  	_ =	shalt  }
0x4c: {  	_ =	shalt  }
0x4d: {  	_ =	shalt  }
0x4e: {  	_ =	shalt  }
0x4f: {  	_ =	shalt  }
0x50: {  	_ =	shalt  }
0x51: {  	_ =	shalt  }
0x52: {  	_ =	shalt  }
0x53: {  	_ =	shalt  }
0x54: {  	_ =	shalt  }
0x55: {  	_ =	shalt  }
0x56: {  	_ =	shalt  }
0x57: {  	_ =	shalt  }
0x58: {  	_ =	shalt  }
0x59: {  	_ =	shalt  }
0x5a: {  	_ =	shalt  }
0x5b: {  	_ =	shalt  }
0x5c: {  	_ =	shalt  }
0x5d: {  	_ =	shalt  }
0x5e: {  	_ =	shalt  }
0x5f: {  	_ =	shalt  }
0x60: {  	_ =	shalt  }
0x61: {  	_ =	shalt  }
0x62: {  	_ =	shalt  }
0x63: {  	_ =	shalt  }
0x64: {  	_ =	shalt  }
0x65: {  	_ =	shalt  }
0x66: {  	_ =	shalt  }
0x67: {  	_ =	shalt  }
0x68: {  	_ =	shalt  }
0x69: {  	_ =	shalt  }
0x6a: {  	_ =	shalt  }
0x6b: {  	_ =	shalt  }
0x6c: {  	_ =	shalt  }
0x6d: {  	_ =	shalt  }
0x6e: {  	_ =	shalt  }
0x6f: {  	_ =	shalt  }
0x70: {  	_ =	shalt  }
0x71: {  	_ =	shalt  }
0x72: {  	_ =	shalt  }
0x73: {  	_ =	shalt  }
0x74: {  	_ =	shalt  }
0x75: {  	_ =	shalt  }
0x76: {  	_ =	shalt  }
0x77: {  	_ =	shalt  }
0x78: {  	_ =	shalt  }
0x79: {  	_ =	shalt  }
0x7a: {  	_ =	shalt  }
0x7b: {  	_ =	shalt  }
0x7c: {  	_ =	shalt  }
0x7d: {  	_ =	shalt  }
0x7e: {  	_ =	shalt  }
0x7f: {  	_ =	shalt  }
0x80: {  	_ =	shalt  }
0x81: {  	_ =	shalt  }
0x82: {  	_ =	shalt  }
0x83: {  	_ =	shalt  }
0x84: {  	_ =	shalt  }
0x85: {  	_ =	shalt  }
0x86: {  	_ =	shalt  }
0x87: {  	_ =	shalt  }
.Lfunc_end0:
.L_simem_size_0:
called_computation.1_lowered:
.L_overlay_start_0:
0x88: {  	s2 =	sld [smem:$0x3FD9]  }
0x89: {  	s3 =	sld [smem:$0x3FFE];
	_ =	sdelay $0x1  }
0x8a: {  	s1 =	srdreg.scid  }
0x8b: {  	s0 =	sand.u32 $0x1, s1  }
0x8c: {  	s17 =	sshll.u32 s0, $0xA;
	s2 =	sadd.s32 s3, s2  }
0x8d: {  	s2 =	sadd.s32 s2, s17  }
0x8e: {  	[smem:$0x3FC0] =	sst s2  }
0x8f: {  	_ = 	snop  }
0x90: {  	s2 =	sld [smem:$0x3FD0];
	(tm) =	ssettm $0x1  }
0x91: {  	s18 =	sld [smem:$0x3FFB];
	_ =	sdelay $0x3  }
0x92: {  	_ =	strace s18  }
0x93: {  	s3 =	sld [smem:$0x3FFC];
	_ =	sdelay $0x3  }
0x94: {  	_ =	strace s3  }
0x95: {  	s3 =	sld [smem:$0x3FFD];
	_ =	sdelay $0x3  }
0x96: {  	_ =	strace s3  }
0x97: {  	_ =	strace $0x8FFFFFFF  }
0x98: {  	s19 =	sld [smem:$0x3FDB];
	_ =	sdelay $0x1  }
0x99: {  	s4 =	simm.s32 $_scs_section_size  }
0x9a: {  	s5 =	simm.s32 $_size__tile_overlayer_lowered;
	s6 =	simm.s32 $_tile_overlayer_lowered  }
0x9b: {  	s22 =	simm.s32 $0x1BFF;
	s21 =	sshll.u32 s6, $0x1;
	s3 =	sadd.s32 s4, s19  }
0x9c: {  	s7 =	simm.s32 $0x0;
	s20 =	sshll.u32 s5, $0x1;
	s5 =	sadd.s32 s21, s3  }
0x9d: {  	[timem:s7], [sflag:s22] =	dma.local [hbm:s5], s20  }
0x9e: {  	_ =	swait.ge [sflag:s22], s20  }
0x9f: {  	s4 =	ssub.s32 $0x0, s20;
	[sflag:s22] =	ssyncset.done $0x0  }
0xa0: {  	[sflag:s22] =	ssyncadd.s32 s4;
	_ =	sdelay $0x1  }
0xa1: {  	s23 =	simm.s32 $0x1B8B  }
0xa2: {  	_ =	swait.ge [sflag:s23], $0x1  }
0xa3: {  	[sflag:s23] =	ssyncset.done $0x0  }
0xa4: {  	s25 =	simm.s32 $0x1B8E;
	s24 =	sld [smem:$0x3FFE];
	[sflag:s23] =	ssyncadd.s32 $0xFFFFFFFF  }
0xa5: {  	s26 =	simm.s32 $execute0_lowered;
	[smem:$0x3FD2] =	sst s25  }
0xa6: {  	s5 =	sshll.u32 s26, $0x1;
	_ =	strace $0x80000049;
	[dreg:$0x1] =	wrdreg $0xFFFFFFFF  }
0xa7: {  	s28 =	simm.s32 $_size_execute0_lowered;
	s3 =	sadd.s32 s3, s5;
	[dreg:$0x0] =	wrdreg $0x0  }
0xa8: {  	s5 =	sshll.u32 s28, $0x1;
	[dreg:$0x2] =	wrdreg s3  }
0xa9: {  	[dreg:$0x3] =	wrdreg s5  }
0xaa: {  	[dreg:$0x4] =	wrdreg $0xC0  }
0xab: {  	_ =	task [dreg:s7], $0x5FFFF  }
0xac: {  	[dreg:$0x1] =	wrdreg $0xFFFFFFFF  }
0xad: {  	[dreg:$0x0] =	wrdreg $0x60  }
0xae: {  	[dreg:$0x2] =	wrdreg s2  }
0xaf: {  	[dreg:$0x3] =	wrdreg s24  }
0xb0: {  	[dreg:$0x4] =	wrdreg $0x50000  }
0xb1: {  	[dreg:$0x5] =	wrdreg $0x9  }
0xb2: {  	_ =	task.clear_ibuf [dreg:s7], $0x6FFFF;
	_ =	strace $0x90000049  }
0xb3: {  	s29 =	simm.s32 $0x9;
	_ =	strace $0x8000004B  }
0xb4: {  	_ =	swait.ge [sflag:s29], $0x1  }
0xb5: {  	[sflag:s29] =	ssyncadd.s32 $0xFFFFFFFF  }
0xb6: {  	_ =	strace $0x9000004B  }
0xb7: {  	_ =	sfence  }
0xb8: {  	s30 =	sld [smem:$0x0];
	_ =	sdelay $0x2  }
0xb9: {  	s31 =	sshll.u32 s1, $0xD;
	s1 =	sshrl.u32 s1, $0x2  }
0xba: {  	s3 =	sand.u32 $0x4000, s31;
	s1 =	sadd.s32 s1, s30  }
0xbb: {  	s0 =	sor.u32 s3, s0;
	s1 =	sshll.u32 s1, $0x11  }
0xbc: {  	s0 =	sor.u32 s1, s0  }
0xbd: {  	s0 =	sadd.s32 $0x8F2B, s0  }
0xbe: {  	[sflag:s0] =	ssyncadd.remote.s32 $0x1  }
0xbf: {  	_ =	sfence.sel $0xFFFF  }
0xc0: {  	[dreg:$0x0] =	wrdreg $0xFFFFFFFF;
	(pc) =	sbr.abs _section_cstart, $3  }
0xc1: {  	[dreg:$0x1] =	wrdreg $0xFFFFFFFF  }
0xc2: {  	_ =	task.clear_ibuf [dreg:s7], $0x2FFFF;
	_ =	strace $0x9FFFFFFF  }
0xc3: {  	(tm) =	ssettm $0x7FFFFFFF  }
tec
execute0_lowered:
.L_overlay_start_1:
0x0: {  	(tag) =	ssettag $0x1  }
0x1: {  	s1 =	rddreg [dreg:$0x0]  }
0x2: {  	s7 =	rddreg [dreg:$0x1]  }
0x3: {  	s3 =	rddreg [dreg:$0x2]  }
0x4: {  	s0 =	rddreg [dreg:$0x3]  }
0x5: {  	s4 =	simm.s32 $0x0;
	s2 =	stileid.u32;
	s5 =	srdreg.scid  }
0x6: {  	s15 =	simm.s32 $0x7D;
	s16 =	simm.s32 $0x1000;
	s17 =	simm.s32 $0x1  }
0x7: {  	[smem:$0x7FF] =	sst s4;
	s8 =	smul.u32 $0x2800, s2;
	s9 =	sand.u32 $0x1, s5  }
0x8: {  	s5 =	sadd.s32 $0x2600, s7;
	s6 =	sadd.s32 $0xC600, s7;
	s12 =	smul.u32 $0x50000, s2  }
0x9: {  	s30 =	sshll.u32 s2, $0x6;
	s31 =	sshll.u32 s2, $0x1;
	_ =	strace $0x8000004A  }
0xa: {  	s10 =	smul.u32 $0x28000, s9;
	s11 =	ssub.s32 $0x2, s9;
	s9 =	sor.u32 s9, s31  }
0xb: {  	s13 =	sadd.s32 s8, s7;
	s28 =	sshrl.u32 s11, $0x1;
	s29 =	sshrl.u32 s12, $0x2  }
0xc: {  	s9 =	smul.u32 $0x2800, s9;
	s8 =	sadd.s32 s8, s10;
	s11 =	ssub.s32 s11, s28  }
0xd: {  	s12 =	sadd.s32 s29, s3;
	s14 =	sadd.s32 s8, s7;
	s7 =	sadd.s32 $0x16600, s13  }
0xe: {  	s8 =	sor.u32 $0x1C02, s30;
	s11 =	smax.u32 s11, $0x1;
	s12 =	sshrl.u32 s12, $0x3  }
0xf: {  	s13 =	simm.s32 $0x2;
	s10 =	sadd.s32 $0x3E600, s14;
	s14 =	simm.s32 $0x800  }
.LBB2_1:
0x10: {  	[spmem:s12], [sflag:s8] =	dma.local [hbm:s7], $0x2800  }
0x11: {  	_ =	swait.ge [sflag:s13], $0x2800  }
0x12: {  	[sflag:s13] =	ssyncset.done $0x0  }
0x13: {  	[sflag:s13] =	ssyncadd.s32 $0xFFFFD800  }
0x14: {  	s18 =	simm.s32 $0x0;
	[bflag:$0x0] =	sbarrier.arrive $0xFFFF  }
.LBB2_2:
0x15: {  	s19 =	sshll.u32 s18, $0xB  }
0x16: {  	s19 =	sadd.s32 s9, s19  }
0x17: {  	s19 =	sshrl.u32 s19, $0x3  }
0x18: {  	s21 =	simm.s32 $0x0;
	s20 =	sadd.s32 s5, s19  }
0x19: {  	[tilespmem:s21], [sflag:$0x2] =	stream.linear.gather [hbm4b:s20+s21], $0x800, $0x38;
	[tilespmem:$0x19000] =	vst v63  }
0x1a: {  	_ =	swait.ge [sflag:s13], $0x800  }
0x1b: {  	[sflag:s13] =	ssyncset.done $0x0  }
0x1c: {  	s19 =	sadd.s32 s6, s19;
	[sflag:s13] =	ssyncadd.s32 $0xFFFFF800  }
0x1d: {  	[tilespmem:s14], [sflag:$0x2] =	stream.linear.gather [hbm4b:s19+s21], $0x800, $0x38;
	[tilespmem:$0x19000] =	vst v63  }
0x1e: {  	_ =	swait.ge [sflag:s13], $0x800  }
0x1f: {  	[sflag:s13] =	ssyncset.done $0x0  }
0x20: {  	s30 =	simm.s32 $0x0;
	[sflag:s13] =	ssyncadd.s32 $0xFFFFF800  }
0x21: {  	[tilespmem:s16], [sflag:$0x1] =	stream.indirect.gather [hbm4b:s1+s15], $0x80, s30, s15, $0xb8;
	[tilespmem:$0x19000] =	vst v63  }
0x22: {  	_ =	swait.ge [sflag:s17], $0x3E80  }
0x23: {  	[sflag:s17] =	ssyncset.done $0x0  }
0x24: {  	s31 =	simm.s32 $0x800;
	[sflag:s17] =	ssyncadd.s32 $0xFFFFC180  }
0x25: {  	[spmem:s3] =	stream.indirect.scatter.add.f32 [tilespmem:s16], [sflag:$0x2], $0x80, s31, s15, $0xb8;
	[tilespmem:$0x19000] =	vst v63  }
0x26: {  	_ =	swait.ge [sflag:s13], $0x3E80  }
0x27: {  	s20 =	simm.s32 $0x400;
	s19 =	simm.s32 $0x200;
	[sflag:s13] =	ssyncset.done $0x0  }
.LBB2_3:
0x28: {  	s21 =	sshra.s32 s19, $0x2  }
0x29: {  	[sflag:s13] =	ssyncadd.s32 $0xFFFFC180;
	s19 =	smov.u32 s20;
	s22 =	sadd.s32 $0x200, s20  }
0x2a: {  	[tilespmem:s16], [sflag:$0x1] =	stream.indirect.gather [hbm4b:s1+s15], $0x80, s21, s15, $0xb8;
	[tilespmem:$0x19000] =	vst v63  }
0x2b: {  	p0 =	sne.s32 s20, $0x1E00;
	_ =	swait.ge [sflag:s17], $0x3E80  }
.Ltmp0:
0x2c: {  	[sflag:s17] =	ssyncset.done $0x0;
	(pc) =	sbr.rel @p0 .LBB2_3-.Ltmp0, $4  }
0x2d: {  	s20 =	sadd.s32 $0x800, s21;
	[sflag:s17] =	ssyncadd.s32 $0xFFFFC180  }
0x2e: {  	[spmem:s3] =	stream.indirect.scatter.add.f32 [tilespmem:s16], [sflag:$0x2], $0x80, s20, s15, $0xb8;
	[tilespmem:$0x19000] =	vst v63  }
0x2f: {  	_ =	swait.ge [sflag:s13], $0x3E80  }
0x30: {  	s20 =	smov.u32 s22;
	[sflag:s13] =	ssyncset.done $0x0  }
0x31: {  	s19 =	sshra.s32 s19, $0x2;
	[sflag:s13] =	ssyncadd.s32 $0xFFFFC180  }
0x32: {  	[tilespmem:s16], [sflag:$0x1] =	stream.indirect.gather [hbm4b:s1+s15], $0x80, s19, s15, $0xb8;
	[tilespmem:$0x19000] =	vst v63  }
0x33: {  	s18 =	sadd.s32 $0x1, s18;
	_ =	swait.ge [sflag:s17], $0x3E80  }
0x34: {  	p0 =	sne.s32 s18, $0x5;
	[sflag:s17] =	ssyncset.done $0x0  }
.Ltmp1:
0x35: {  	s19 =	sadd.s32 $0x800, s19;
	[sflag:s17] =	ssyncadd.s32 $0xFFFFC180;
	(pc) =	sbr.rel @p0 .LBB2_2-.Ltmp1, $4  }
0x36: {  	[spmem:s3] =	stream.indirect.scatter.add.f32 [tilespmem:s16], [sflag:$0x2], $0x80, s19, s15, $0xb8;
	[tilespmem:$0x19000] =	vst v63  }
0x37: {  	_ =	swait.ge [sflag:s13], $0x3E80  }
0x38: {  	[sflag:s13] =	ssyncset.done $0x0  }
0x39: {  	[sflag:s13] =	ssyncadd.s32 $0xFFFFC180  }
0x3a: {  	s4 =	sadd.s32 $0x1, s4  }
0x3b: {  	p0 =	sne.s32 s4, s11  }
.Ltmp2:
0x3c: {  	[bflag:$0x0] =	sbarrier.arrive $0xFFFF;
	(pc) =	sbr.rel @p0 .LBB2_1-.Ltmp2, $4  }
0x3d: {  	[hbm:s10], [sflag:s8] =	dma.local [spmem:s12], $0x2800  }
0x3e: {  	_ =	swait.ge [sflag:s13], $0x2800  }
0x3f: {  	[sflag:s13] =	ssyncset.done $0x0  }
0x40: {  	[sflag:s13] =	ssyncadd.s32 $0xFFFFD800  }
0x41: {  	_ =	sfence.sel $0x180000  }
0x42: {  	[bflag:$0x0] =	sbarrier.arrive $0xFFFF  }
0x43: {  	p0 =	sne.s32 s2, $0x0;
	_ =	strace $0x9000004A  }
0x44: {  	s0 =	sadd.s32 @!p0 $0x100000, s0;
	[bflag:$0x2] =	sbarrier.arrive $0xFFFF  }
0x45: {  	[sflag:s0] =	ssyncadd.tile.s32 @!p0 $0x1;
	_ =	shalt  }
.Lfunc_end2:
_tile_overlayer_lowered:
.L_overlay_start_2:
0x46: {  	(tag) =	ssettag $0x2  }
0x47: {  	s0 =	rddreg [dreg:$0x0];
	s2 =	stileid.u32  }
0x48: {  	s1 =	rddreg [dreg:$0x1];
	p0 =	sne.s32 s2, $0x0  }
0x49: {  	s3 =	rddreg [dreg:$0x2];
	[bflag:$0x3] =	sbarrier.arrive $0xFFFF;
	s2 =	simm.s32 @!p0 $0x1C02  }
0x4a: {  	[timem:s3], [sflag:s2] =	dma.local @!p0 [hbm:s0], s1  }
0x4b: {  	s0 =	simm.s32 @!p0 $0x2  }
0x4c: {  	_ =	swait.ge @!p0 [sflag:s0], s1  }
0x4d: {  	s1 =	ssub.s32 @!p0 $0x0, s1;
	[sflag:s0] =	ssyncset.done @!p0 $0x0  }
0x4e: {  	[sflag:s0] =	ssyncadd.s32 @!p0 s1  }
0x4f: {  	[bflag:$0x3] =	sbarrier.arrive $0xFFFF  }
0x50: {  	_ =	shalt  }

// kernel: kernel.16.cloned.1.call-start
scs
__scs_entry_jumppad:
0x0: {  	(pc) =	sbr.rel $0x88, $3  }
0x1: {  	(tag) =	ssettag $0x0;
	lr =	simm.s32 $0x1  }
0x2: {  	[smem:$0x3F99] =	sst lr;
	_ =	strace $0xD0000000  }
0x3: {  	_ = 	snop  }
0x4: {  	_ = 	snop  }
0x5: {  	_ = 	snop  }
0x6: {  	_ = 	snop  }
0x7: {  	_ = 	snop  }
__scs_overlays_trampoline_lowered:
0x8: {  	[smem:$0x3FA8] =	sst s0  }
0x9: {  	[smem:$0x3FA9] =	sst s1  }
0xa: {  	[smem:$0x3FAA] =	sst s2  }
0xb: {  	[smem:$0x3FAB] =	sst s3  }
0xc: {  	[smem:$0x3FAC] =	sst s4  }
0xd: {  	[smem:$0x3FAD] =	sst s5  }
0xe: {  	[smem:$0x3FAE] =	sst s6  }
0xf: {  	[smem:$0x3FAF] =	sst s7  }
0x10: {  	[smem:$0x3FB0] =	sst s8  }
0x11: {  	[smem:$0x3FB1] =	sst s9;
	s0 =	simm.s32 @!p0 $0x0  }
0x12: {  	s1 =	sld [smem:$0x3F97];
	s0 =	simm.s32 @p0 $0x1  }
0x13: {  	[smem:$0x3FB2] =	sst s0;
	s0 =	simm.s32 @!p1 $0x0  }
0x14: {  	s2 =	sld [smem:$0x3F96];
	s0 =	simm.s32 @p1 $0x1  }
0x15: {  	[smem:$0x3FB3] =	sst s0;
	s0 =	simm.s32 @!p2 $0x0  }
0x16: {  	s3 =	sld [smem:$0x3FDB];
	s0 =	simm.s32 @p2 $0x1  }
0x17: {  	s4 =	simm.s32 $0x1BF5;
	[smem:$0x3FB5] =	sst s0  }
0x18: {  	s0 =	sld [smem:$0x3F98];
	_ =	swait.ge [sflag:s4], $0x0  }
0x19: {  	s7 =	sld [smem:$0x3F99]  }
0x1a: {  	s8 =	sadd.s32 $0xFFFFE003, lr  }
0x1b: {  	s9 =	sadd.s32 $0xFFFFFEF7, lr;
	s5 =	simm.s32 $0xFFFFFFFF;
	p2 =	slt.u32 s8, $0xFFFFF086  }
0x1c: {  	p1 =	slt.u32 s9, $0xF7A;
	s5 =	simm.s32 @!p2 $0x0  }
0x1d: {  	s5 =	simm.s32 @p1 $0x1;
	p0 =	seq.s32 s7, s2  }
0x1e: {  	s7 =	smul.u32 @!p0 $0xF7A, s2;
	p2 =	seq.s32 @!p0 s5, $0x0  }
0x1f: {  	s9 =	smul.u32 $0xF7A, s1;
	s8 =	simm.s32 @!p0 $0x1BF5;
	p2 =	por !p2, p0  }
0x20: {  	[sflag:s8] =	ssyncset.s32 @!p0 $0xFFFFF086;
	s6 =	sadd.s32 @!p0 s3, s7;
	s7 =	simm.s32 @!p0 $0x108  }
0x21: {  	s3 =	sadd.s32 s3, s9;
	s6 =	sadd.s32 @!p0 $0x88, s6;
	s7 =	simm.s32 @p2 $0x1082  }
0x22: {  	[simem:s7], [sflag:s8] =	dma.local @!p0 [hbm:s6], $0xF7A  }
0x23: {  	s9 =	sor.u32 $0xD0000000, s2;
	s6 =	simm.s32 $0x108;
	_ =	swait.ge @!p0 [sflag:s8], $0x0  }
0x24: {  	s3 =	sadd.s32 $0x88, s3;
	s6 =	simm.s32 @!p1 $0x1082;
	[sflag:s4] =	ssyncset.s32 $0xFFFFF086  }
0x25: {  	[simem:s6], [sflag:s4] =	dma.local [hbm:s3], $0xF7A  }
0x26: {  	[smem:$0x3F99] =	sst s1;
	(tag) =	ssettag s2;
	_ =	strace s9  }
0x27: {  	s1 =	sld [smem:$0x3FA9]  }
0x28: {  	s2 =	sld [smem:$0x3FAA]  }
0x29: {  	s4 =	sld [smem:$0x3FAC]  }
0x2a: {  	p0 =	seq.s32 s5, $0x0;
	s5 =	sld [smem:$0x3FAD]  }
0x2b: {  	s6 =	sld [smem:$0x3FAE]  }
0x2c: {  	s7 =	sld [smem:$0x3FAF]  }
0x2d: {  	s3 =	simm.s32 $0x108;
	s8 =	sld [smem:$0x3FB0]  }
0x2e: {  	s3 =	simm.s32 @!p0 $0x1082;
	s9 =	sld [smem:$0x3FB1]  }
0x2f: {  	lr =	sadd.s32 s0, s3;
	s0 =	sld [smem:$0x3FA8]  }
0x30: {  	s3 =	sld [smem:$0x3FAB]  }
0x31: {  	[smem:$0x3FB4] =	sst s10  }
0x32: {  	s10 =	sld [smem:$0x3FB2];
	_ =	sdelay $0x3  }
0x33: {  	p0 =	seq.s32 s10, $0x1;
	s10 =	sld [smem:$0x3FB4];
	_ =	sdelay $0x3  }
0x34: {  	[smem:$0x3FB4] =	sst s10  }
0x35: {  	s10 =	sld [smem:$0x3FB3];
	_ =	sdelay $0x3  }
0x36: {  	p1 =	seq.s32 s10, $0x1;
	s10 =	sld [smem:$0x3FB4];
	_ =	sdelay $0x3  }
0x37: {  	[smem:$0x3FB4] =	sst s10  }
0x38: {  	s10 =	sld [smem:$0x3FB5]  }
0x39: {  	_ = 	snop;
	(pc) =	sbr.ind lr, $3  }
0x3a: {  	_ = 	snop  }
0x3b: {  	_ = 	snop  }
0x3c: {  	p2 =	seq.s32 s10, $0x1;
	s10 =	sld [smem:$0x3FB4]  }
0x3d: {  	_ =	shalt  }
0x3e: {  	_ =	shalt  }
0x3f: {  	_ =	shalt  }
0x40: {  	_ =	shalt  }
0x41: {  	_ =	shalt  }
0x42: {  	_ =	shalt  }
0x43: {  	_ =	shalt  }
0x44: {  	_ =	shalt  }
0x45: {  	_ =	shalt  }
0x46: {  	_ =	shalt  }
0x47: {  	_ =	shalt  }
0x48: {  	_ =	shalt  }
0x49: {  	_ =	shalt  }
0x4a: {  	_ =	shalt  }
0x4b: {  	_ =	shalt  }
0x4c: {  	_ =	shalt  }
0x4d: {  	_ =	shalt  }
0x4e: {  	_ =	shalt  }
0x4f: {  	_ =	shalt  }
0x50: {  	_ =	shalt  }
0x51: {  	_ =	shalt  }
0x52: {  	_ =	shalt  }
0x53: {  	_ =	shalt  }
0x54: {  	_ =	shalt  }
0x55: {  	_ =	shalt  }
0x56: {  	_ =	shalt  }
0x57: {  	_ =	shalt  }
0x58: {  	_ =	shalt  }
0x59: {  	_ =	shalt  }
0x5a: {  	_ =	shalt  }
0x5b: {  	_ =	shalt  }
0x5c: {  	_ =	shalt  }
0x5d: {  	_ =	shalt  }
0x5e: {  	_ =	shalt  }
0x5f: {  	_ =	shalt  }
0x60: {  	_ =	shalt  }
0x61: {  	_ =	shalt  }
0x62: {  	_ =	shalt  }
0x63: {  	_ =	shalt  }
0x64: {  	_ =	shalt  }
0x65: {  	_ =	shalt  }
0x66: {  	_ =	shalt  }
0x67: {  	_ =	shalt  }
0x68: {  	_ =	shalt  }
0x69: {  	_ =	shalt  }
0x6a: {  	_ =	shalt  }
0x6b: {  	_ =	shalt  }
0x6c: {  	_ =	shalt  }
0x6d: {  	_ =	shalt  }
0x6e: {  	_ =	shalt  }
0x6f: {  	_ =	shalt  }
0x70: {  	_ =	shalt  }
0x71: {  	_ =	shalt  }
0x72: {  	_ =	shalt  }
0x73: {  	_ =	shalt  }
0x74: {  	_ =	shalt  }
0x75: {  	_ =	shalt  }
0x76: {  	_ =	shalt  }
0x77: {  	_ =	shalt  }
0x78: {  	_ =	shalt  }
0x79: {  	_ =	shalt  }
0x7a: {  	_ =	shalt  }
0x7b: {  	_ =	shalt  }
0x7c: {  	_ =	shalt  }
0x7d: {  	_ =	shalt  }
0x7e: {  	_ =	shalt  }
0x7f: {  	_ =	shalt  }
0x80: {  	_ =	shalt  }
0x81: {  	_ =	shalt  }
0x82: {  	_ =	shalt  }
0x83: {  	_ =	shalt  }
0x84: {  	_ =	shalt  }
0x85: {  	_ =	shalt  }
0x86: {  	_ =	shalt  }
0x87: {  	_ =	shalt  }
.Lfunc_end0:
.L_simem_size_0:
called_computation.2_lowered:
.L_overlay_start_0:
0x88: {  	s2 =	sld [smem:$0x3FD9]  }
0x89: {  	s3 =	sld [smem:$0x3FFE];
	_ =	sdelay $0x1  }
0x8a: {  	s1 =	srdreg.scid  }
0x8b: {  	s0 =	sand.u32 $0x1, s1  }
0x8c: {  	s16 =	sshll.u32 s0, $0xA;
	s2 =	sadd.s32 s3, s2  }
0x8d: {  	s2 =	sadd.s32 s2, s16  }
0x8e: {  	[smem:$0x3FC0] =	sst s2  }
0x8f: {  	_ = 	snop  }
0x90: {  	(tm) =	ssettm $0x1  }
0x91: {  	s17 =	sld [smem:$0x3FFB];
	_ =	sdelay $0x3  }
0x92: {  	_ =	strace s17  }
0x93: {  	s2 =	sld [smem:$0x3FFC];
	_ =	sdelay $0x3  }
0x94: {  	_ =	strace s2  }
0x95: {  	s2 =	sld [smem:$0x3FFD];
	_ =	sdelay $0x3  }
0x96: {  	_ =	strace s2  }
0x97: {  	_ =	strace $0x8FFFFFFF  }
0x98: {  	s18 =	sld [smem:$0x3FDB];
	_ =	sdelay $0x1  }
0x99: {  	s19 =	simm.s32 $_scs_section_size  }
0x9a: {  	s4 =	simm.s32 $_size__tile_overlayer_lowered;
	s5 =	simm.s32 $_tile_overlayer_lowered  }
0x9b: {  	s22 =	simm.s32 $0x1BFF;
	s21 =	sshll.u32 s5, $0x1;
	s2 =	sadd.s32 s19, s18  }
0x9c: {  	s6 =	simm.s32 $0x0;
	s20 =	sshll.u32 s4, $0x1;
	s4 =	sadd.s32 s21, s2  }
0x9d: {  	[timem:s6], [sflag:s22] =	dma.local [hbm:s4], s20  }
0x9e: {  	_ =	swait.ge [sflag:s22], s20  }
0x9f: {  	s3 =	ssub.s32 $0x0, s20;
	[sflag:s22] =	ssyncset.done $0x0  }
0xa0: {  	[sflag:s22] =	ssyncadd.s32 s3;
	_ =	sdelay $0x1  }
0xa1: {  	s23 =	simm.s32 $0x1B8B  }
0xa2: {  	_ =	swait.ge [sflag:s23], $0x1  }
0xa3: {  	[sflag:s23] =	ssyncset.done $0x0  }
0xa4: {  	s25 =	simm.s32 $0x1B8E;
	s24 =	sld [smem:$0x3FFE];
	[sflag:s23] =	ssyncadd.s32 $0xFFFFFFFF  }
0xa5: {  	s26 =	simm.s32 $execute0_lowered;
	[smem:$0x3FD2] =	sst s25  }
0xa6: {  	s4 =	sshll.u32 s26, $0x1;
	_ =	strace $0x8000004C;
	[dreg:$0x1] =	wrdreg $0xFFFFFFFF  }
0xa7: {  	s28 =	simm.s32 $_size_execute0_lowered;
	s2 =	sadd.s32 s2, s4;
	[dreg:$0x0] =	wrdreg $0x0  }
0xa8: {  	s4 =	sshll.u32 s28, $0x1;
	[dreg:$0x2] =	wrdreg s2  }
0xa9: {  	[dreg:$0x3] =	wrdreg s4  }
0xaa: {  	[dreg:$0x4] =	wrdreg $0xC0  }
0xab: {  	_ =	task [dreg:s6], $0x5FFFF  }
0xac: {  	[dreg:$0x1] =	wrdreg $0xFFFFFFFF  }
0xad: {  	[dreg:$0x0] =	wrdreg $0x60  }
0xae: {  	[dreg:$0x2] =	wrdreg s24  }
0xaf: {  	[dreg:$0x3] =	wrdreg $0x50000  }
0xb0: {  	[dreg:$0x4] =	wrdreg $0x9  }
0xb1: {  	_ =	task.clear_ibuf [dreg:s6], $0x5FFFF;
	_ =	strace $0x9000004C  }
0xb2: {  	s29 =	simm.s32 $0x9;
	_ =	strace $0x8000004E  }
0xb3: {  	_ =	swait.ge [sflag:s29], $0x1  }
0xb4: {  	[sflag:s29] =	ssyncadd.s32 $0xFFFFFFFF  }
0xb5: {  	_ =	strace $0x9000004E  }
0xb6: {  	_ =	sfence  }
0xb7: {  	s30 =	sld [smem:$0x0];
	_ =	sdelay $0x2  }
0xb8: {  	s31 =	sshll.u32 s1, $0xD;
	s1 =	sshrl.u32 s1, $0x2  }
0xb9: {  	s3 =	sand.u32 $0x4000, s31;
	s1 =	sadd.s32 s1, s30  }
0xba: {  	s0 =	sor.u32 s3, s0;
	s1 =	sshll.u32 s1, $0x11  }
0xbb: {  	s0 =	sor.u32 s1, s0  }
0xbc: {  	s0 =	sadd.s32 $0x8F2B, s0  }
0xbd: {  	[sflag:s0] =	ssyncadd.remote.s32 $0x1  }
0xbe: {  	_ =	sfence.sel $0xFFFF  }
0xbf: {  	[dreg:$0x0] =	wrdreg $0xFFFFFFFF;
	(pc) =	sbr.abs _section_cstart, $3  }
0xc0: {  	[dreg:$0x1] =	wrdreg $0xFFFFFFFF  }
0xc1: {  	_ =	task.clear_ibuf [dreg:s6], $0x2FFFF;
	_ =	strace $0x9FFFFFFF  }
0xc2: {  	(tm) =	ssettm $0x7FFFFFFF  }
0xc3: {  	_ =	shalt  }
tec
execute0_lowered:
.L_overlay_start_1:
0x0: {  	(tag) =	ssettag $0x1  }
0x1: {  	s7 =	rddreg [dreg:$0x0]  }
0x2: {  	s2 =	rddreg [dreg:$0x1]  }
0x3: {  	s0 =	rddreg [dreg:$0x2];
	s3 =	simm.s32 $0x0  }
0x4: {  	s1 =	stileid.u32;
	s4 =	srdreg.scid;
	s15 =	simm.s32 $0x800  }
0x5: {  	s16 =	simm.s32 $0x7D;
	s17 =	simm.s32 $0x1000;
	s18 =	simm.s32 $0x1  }
0x6: {  	[smem:$0x7FF] =	sst s3;
	s8 =	smul.u32 $0x2800, s1;
	s9 =	sand.u32 $0x1, s4  }
0x7: {  	s4 =	sadd.s32 $0x3E600, s7;
	s5 =	sadd.s32 $0x8E600, s7;
	s13 =	smul.u32 $0x50000, s1  }
0x8: {  	s6 =	sadd.s32 $0xC600, s7;
	s31 =	sshll.u32 s1, $0x6;
	s10 =	smul.u32 $0x28000, s9  }
0x9: {  	_ =	strace $0x8000004D;
	s12 =	ssub.s32 $0x2, s9;
	s29 =	smul.u32 $0xA00, s9  }
0xa: {  	s9 =	sor.u32 $0x1C02, s31;
	s11 =	sadd.s32 s8, s7;
	s28 =	sshrl.u32 s12, $0x1  }
0xb: {  	s30 =	sshrl.u32 s13, $0x2;
	s8 =	sadd.s32 s8, s10;
	s12 =	ssub.s32 s12, s28  }
0xc: {  	s13 =	sadd.s32 s30, s2;
	s14 =	sadd.s32 s8, s7;
	s7 =	smul.u32 $0xA0, s1  }
0xd: {  	s8 =	sadd.s32 $0x16600, s11;
	s12 =	smax.u32 s12, $0x1;
	s13 =	sshrl.u32 s13, $0x3  }
0xe: {  	s11 =	sadd.s32 $0xA2600, s14;
	s14 =	simm.s32 $0x2;
	s10 =	sadd.s32 s7, s29  }
.LBB2_1:
0xf: {  	[spmem:s13], [sflag:s9] =	dma.local [hbm:s8], $0x2800  }
0x10: {  	_ =	swait.ge [sflag:s14], $0x2800  }
0x11: {  	[sflag:s14] =	ssyncset.done $0x0  }
0x12: {  	[sflag:s14] =	ssyncadd.s32 $0xFFFFD800  }
0x13: {  	s19 =	simm.s32 $0x0;
	[bflag:$0x0] =	sbarrier.arrive $0xFFFF  }
.LBB2_2:
0x14: {  	s20 =	sshll.u32 s19, $0x4  }
0x15: {  	s21 =	sadd.s32 s20, s10  }
0x16: {  	s21 =	sshll.u32 s21, $0x4  }
0x17: {  	s22 =	simm.s32 $0x0;
	s21 =	sadd.s32 s5, s21  }
0x18: {  	[tilespmem:s22], [sflag:$0x2] =	stream.linear.gather [hbm4b:s21+s22], $0x800, $0x38;
	[tilespmem:$0x19000] =	vst v63  }
0x19: {  	s20 =	sadd.s32 s7, s20;
	_ =	swait.ge [sflag:s14], $0x800  }
0x1a: {  	s20 =	sshll.u32 s20, $0x4;
	[sflag:s14] =	ssyncset.done $0x0  }
0x1b: {  	s20 =	sadd.s32 s6, s20;
	[sflag:s14] =	ssyncadd.s32 $0xFFFFF800  }
0x1c: {  	[tilespmem:s15], [sflag:$0x2] =	stream.linear.gather [hbm4b:s20+s22], $0x800, $0x38;
	[tilespmem:$0x19000] =	vst v63  }
0x1d: {  	_ =	swait.ge [sflag:s14], $0x800  }
0x1e: {  	[sflag:s14] =	ssyncset.done $0x0  }
0x1f: {  	s30 =	simm.s32 $0x0;
	[sflag:s14] =	ssyncadd.s32 $0xFFFFF800  }
0x20: {  	[tilespmem:s17], [sflag:$0x1] =	stream.indirect.gather [hbm4b:s4+s16], $0x80, s30, s16, $0xb8;
	[tilespmem:$0x19000] =	vst v63  }
0x21: {  	_ =	swait.ge [sflag:s18], $0x3E80  }
0x22: {  	[sflag:s18] =	ssyncset.done $0x0  }
0x23: {  	s31 =	simm.s32 $0x800;
	[sflag:s18] =	ssyncadd.s32 $0xFFFFC180  }
0x24: {  	[spmem:s2] =	stream.indirect.scatter.add.f32 [tilespmem:s17], [sflag:$0x2], $0x80, s31, s16, $0xb8;
	[tilespmem:$0x19000] =	vst v63  }
0x25: {  	_ =	swait.ge [sflag:s14], $0x3E80  }
0x26: {  	s21 =	simm.s32 $0x400;
	s20 =	simm.s32 $0x200;
	[sflag:s14] =	ssyncset.done $0x0  }
.LBB2_3:
0x27: {  	s22 =	sshra.s32 s20, $0x2  }
0x28: {  	[sflag:s14] =	ssyncadd.s32 $0xFFFFC180;
	s20 =	smov.u32 s21;
	s23 =	sadd.s32 $0x200, s21  }
0x29: {  	[tilespmem:s17], [sflag:$0x1] =	stream.indirect.gather [hbm4b:s4+s16], $0x80, s22, s16, $0xb8;
	[tilespmem:$0x19000] =	vst v63  }
0x2a: {  	p0 =	sne.s32 s21, $0x1E00;
	_ =	swait.ge [sflag:s18], $0x3E80  }
.Ltmp0:
0x2b: {  	[sflag:s18] =	ssyncset.done $0x0;
	(pc) =	sbr.rel @p0 .LBB2_3-.Ltmp0, $4  }
0x2c: {  	s21 =	sadd.s32 $0x800, s22;
	[sflag:s18] =	ssyncadd.s32 $0xFFFFC180  }
0x2d: {  	[spmem:s2] =	stream.indirect.scatter.add.f32 [tilespmem:s17], [sflag:$0x2], $0x80, s21, s16, $0xb8;
	[tilespmem:$0x19000] =	vst v63  }
0x2e: {  	_ =	swait.ge [sflag:s14], $0x3E80  }
0x2f: {  	s21 =	smov.u32 s23;
	[sflag:s14] =	ssyncset.done $0x0  }
0x30: {  	s20 =	sshra.s32 s20, $0x2;
	[sflag:s14] =	ssyncadd.s32 $0xFFFFC180  }
0x31: {  	[tilespmem:s17], [sflag:$0x1] =	stream.indirect.gather [hbm4b:s4+s16], $0x80, s20, s16, $0xb8;
	[tilespmem:$0x19000] =	vst v63  }
0x32: {  	s19 =	sadd.s32 $0x1, s19;
	_ =	swait.ge [sflag:s18], $0x3E80  }
0x33: {  	p0 =	sne.s32 s19, $0xA;
	[sflag:s18] =	ssyncset.done $0x0  }
.Ltmp1:
0x34: {  	s20 =	sadd.s32 $0x800, s20;
	[sflag:s18] =	ssyncadd.s32 $0xFFFFC180;
	(pc) =	sbr.rel @p0 .LBB2_2-.Ltmp1, $4  }
0x35: {  	[spmem:s2] =	stream.indirect.scatter.add.f32 [tilespmem:s17], [sflag:$0x2], $0x80, s20, s16, $0xb8;
	[tilespmem:$0x19000] =	vst v63  }
0x36: {  	_ =	swait.ge [sflag:s14], $0x3E80  }
0x37: {  	[sflag:s14] =	ssyncset.done $0x0  }
0x38: {  	[sflag:s14] =	ssyncadd.s32 $0xFFFFC180  }
0x39: {  	s3 =	sadd.s32 $0x1, s3  }
0x3a: {  	p0 =	sne.s32 s3, s12  }
.Ltmp2:
0x3b: {  	[bflag:$0x0] =	sbarrier.arrive $0xFFFF;
	(pc) =	sbr.rel @p0 .LBB2_1-.Ltmp2, $4  }
0x3c: {  	[hbm:s11], [sflag:s9] =	dma.local [spmem:s13], $0x2800  }
0x3d: {  	_ =	swait.ge [sflag:s14], $0x2800  }
0x3e: {  	[sflag:s14] =	ssyncset.done $0x0  }
0x3f: {  	[sflag:s14] =	ssyncadd.s32 $0xFFFFD800  }
0x40: {  	_ =	sfence.sel $0x180000  }
0x41: {  	[bflag:$0x0] =	sbarrier.arrive $0xFFFF  }
0x42: {  	p0 =	sne.s32 s1, $0x0;
	_ =	strace $0x9000004D  }
0x43: {  	s0 =	sadd.s32 @!p0 $0x100000, s0;
	[bflag:$0x2] =	sbarrier.arrive $0xFFFF  }
0x44: {  	[sflag:s0] =	ssyncadd.tile.s32 @!p0 $0x1;
	_ =	shalt  }
.Lfunc_end2:
_tile_overlayer_lowered:
.L_overlay_start_2:
0x45: {  	(tag) =	ssettag $0x2  }
0x46: {  	s0 =	rddreg [dreg:$0x0];
	s2 =	stileid.u32  }
0x47: {  	s1 =	rddreg [dreg:$0x1];
	p0 =	sne.s32 s2, $0x0  }
0x48: {  	s3 =	rddreg [dreg:$0x2];
	[bflag:$0x3] =	sbarrier.arrive $0xFFFF;
	s2 =	simm.s32 @!p0 $0x1C02  }
0x49: {  	[timem:s3], [sflag:s2] =	dma.local @!p0 [hbm:s0], s1  }
0x4a: {  	s0 =	simm.s32 @!p0 $0x2  }
0x4b: {  	_ =	swait.ge @!p0 [sflag:s0], s1  }
0x4c: {  	s1 =	ssub.s32 @!p0 $0x0, s1;
	[sflag:s0] =	ssyncset.done @!p0 $0x0  }
0x4d: {  	[sflag:s0] =	ssyncadd.s32 @!p0 s1  }
0x4e: {  	[bflag:$0x3] =	sbarrier.arrive $0xFFFF  }
0x4f: {  	_ =	shalt  }

// kernel: kernel.19.cloned.1.call-start
scs
__scs_entry_jumppad:
0x0: {  	(pc) =	sbr.rel $0x88, $3  }
0x1: {  	(tag) =	ssettag $0x0;
	lr =	simm.s32 $0x1  }
0x2: {  	[smem:$0x3F99] =	sst lr;
	_ =	strace $0xD0000000  }
0x3: {  	_ = 	snop  }
0x4: {  	_ = 	snop  }
0x5: {  	_ = 	snop  }
0x6: {  	_ = 	snop  }
0x7: {  	_ = 	snop  }
__scs_overlays_trampoline_lowered:
0x8: {  	[smem:$0x3FA8] =	sst s0  }
0x9: {  	[smem:$0x3FA9] =	sst s1  }
0xa: {  	[smem:$0x3FAA] =	sst s2  }
0xb: {  	[smem:$0x3FAB] =	sst s3  }
0xc: {  	[smem:$0x3FAC] =	sst s4  }
0xd: {  	[smem:$0x3FAD] =	sst s5  }
0xe: {  	[smem:$0x3FAE] =	sst s6  }
0xf: {  	[smem:$0x3FAF] =	sst s7  }
0x10: {  	[smem:$0x3FB0] =	sst s8  }
0x11: {  	[smem:$0x3FB1] =	sst s9;
	s0 =	simm.s32 @!p0 $0x0  }
0x12: {  	s1 =	sld [smem:$0x3F97];
	s0 =	simm.s32 @p0 $0x1  }
0x13: {  	[smem:$0x3FB2] =	sst s0;
	s0 =	simm.s32 @!p1 $0x0  }
0x14: {  	s2 =	sld [smem:$0x3F96];
	s0 =	simm.s32 @p1 $0x1  }
0x15: {  	[smem:$0x3FB3] =	sst s0;
	s0 =	simm.s32 @!p2 $0x0  }
0x16: {  	s3 =	sld [smem:$0x3FDB];
	s0 =	simm.s32 @p2 $0x1  }
0x17: {  	s4 =	simm.s32 $0x1BF5;
	[smem:$0x3FB5] =	sst s0  }
0x18: {  	s0 =	sld [smem:$0x3F98];
	_ =	swait.ge [sflag:s4], $0x0  }
0x19: {  	s7 =	sld [smem:$0x3F99]  }
0x1a: {  	s8 =	sadd.s32 $0xFFFFE003, lr  }
0x1b: {  	s9 =	sadd.s32 $0xFFFFFEF7, lr;
	s5 =	simm.s32 $0xFFFFFFFF;
	p2 =	slt.u32 s8, $0xFFFFF086  }
0x1c: {  	p1 =	slt.u32 s9, $0xF7A;
	s5 =	simm.s32 @!p2 $0x0  }
0x1d: {  	s5 =	simm.s32 @p1 $0x1;
	p0 =	seq.s32 s7, s2  }
0x1e: {  	s7 =	smul.u32 @!p0 $0xF7A, s2;
	p2 =	seq.s32 @!p0 s5, $0x0  }
0x1f: {  	s9 =	smul.u32 $0xF7A, s1;
	s8 =	simm.s32 @!p0 $0x1BF5;
	p2 =	por !p2, p0  }
0x20: {  	[sflag:s8] =	ssyncset.s32 @!p0 $0xFFFFF086;
	s6 =	sadd.s32 @!p0 s3, s7;
	s7 =	simm.s32 @!p0 $0x108  }
0x21: {  	s3 =	sadd.s32 s3, s9;
	s6 =	sadd.s32 @!p0 $0x88, s6;
	s7 =	simm.s32 @p2 $0x1082  }
0x22: {  	[simem:s7], [sflag:s8] =	dma.local @!p0 [hbm:s6], $0xF7A  }
0x23: {  	s9 =	sor.u32 $0xD0000000, s2;
	s6 =	simm.s32 $0x108;
	_ =	swait.ge @!p0 [sflag:s8], $0x0  }
0x24: {  	s3 =	sadd.s32 $0x88, s3;
	s6 =	simm.s32 @!p1 $0x1082;
	[sflag:s4] =	ssyncset.s32 $0xFFFFF086  }
0x25: {  	[simem:s6], [sflag:s4] =	dma.local [hbm:s3], $0xF7A  }
0x26: {  	[smem:$0x3F99] =	sst s1;
	(tag) =	ssettag s2;
	_ =	strace s9  }
0x27: {  	s1 =	sld [smem:$0x3FA9]  }
0x28: {  	s2 =	sld [smem:$0x3FAA]  }
0x29: {  	s4 =	sld [smem:$0x3FAC]  }
0x2a: {  	p0 =	seq.s32 s5, $0x0;
	s5 =	sld [smem:$0x3FAD]  }
0x2b: {  	s6 =	sld [smem:$0x3FAE]  }
0x2c: {  	s7 =	sld [smem:$0x3FAF]  }
0x2d: {  	s3 =	simm.s32 $0x108;
	s8 =	sld [smem:$0x3FB0]  }
0x2e: {  	s3 =	simm.s32 @!p0 $0x1082;
	s9 =	sld [smem:$0x3FB1]  }
0x2f: {  	lr =	sadd.s32 s0, s3;
	s0 =	sld [smem:$0x3FA8]  }
0x30: {  	s3 =	sld [smem:$0x3FAB]  }
0x31: {  	[smem:$0x3FB4] =	sst s10  }
0x32: {  	s10 =	sld [smem:$0x3FB2];
	_ =	sdelay $0x3  }
0x33: {  	p0 =	seq.s32 s10, $0x1;
	s10 =	sld [smem:$0x3FB4];
	_ =	sdelay $0x3  }
0x34: {  	[smem:$0x3FB4] =	sst s10  }
0x35: {  	s10 =	sld [smem:$0x3FB3];
	_ =	sdelay $0x3  }
0x36: {  	p1 =	seq.s32 s10, $0x1;
	s10 =	sld [smem:$0x3FB4];
	_ =	sdelay $0x3  }
0x37: {  	[smem:$0x3FB4] =	sst s10  }
0x38: {  	s10 =	sld [smem:$0x3FB5]  }
0x39: {  	_ = 	snop;
	(pc) =	sbr.ind lr, $3  }
0x3a: {  	_ = 	snop  }
0x3b: {  	_ = 	snop  }
0x3c: {  	p2 =	seq.s32 s10, $0x1;
	s10 =	sld [smem:$0x3FB4]  }
0x3d: {  	_ =	shalt  }
0x3e: {  	_ =	shalt  }
0x3f: {  	_ =	shalt  }
0x40: {  	_ =	shalt  }
0x41: {  	_ =	shalt  }
0x42: {  	_ =	shalt  }
0x43: {  	_ =	shalt  }
0x44: {  	_ =	shalt  }
0x45: {  	_ =	shalt  }
0x46: {  	_ =	shalt  }
0x47: {  	_ =	shalt  }
0x48: {  	_ =	shalt  }
0x49: {  	_ =	shalt  }
0x4a: {  	_ =	shalt  }
0x4b: {  	_ =	shalt  }
0x4c: {  	_ =	shalt  }
0x4d: {  	_ =	shalt  }
0x4e: {  	_ =	shalt  }
0x4f: {  	_ =	shalt  }
0x50: {  	_ =	shalt  }
0x51: {  	_ =	shalt  }
0x52: {  	_ =	shalt  }
0x53: {  	_ =	shalt  }
0x54: {  	_ =	shalt  }
0x55: {  	_ =	shalt  }
0x56: {  	_ =	shalt  }
0x57: {  	_ =	shalt  }
0x58: {  	_ =	shalt  }
0x59: {  	_ =	shalt  }
0x5a: {  	_ =	shalt  }
0x5b: {  	_ =	shalt  }
0x5c: {  	_ =	shalt  }
0x5d: {  	_ =	shalt  }
0x5e: {  	_ =	shalt  }
0x5f: {  	_ =	shalt  }
0x60: {  	_ =	shalt  }
0x61: {  	_ =	shalt  }
0x62: {  	_ =	shalt  }
0x63: {  	_ =	shalt  }
0x64: {  	_ =	shalt  }
0x65: {  	_ =	shalt  }
0x66: {  	_ =	shalt  }
0x67: {  	_ =	shalt  }
0x68: {  	_ =	shalt  }
0x69: {  	_ =	shalt  }
0x6a: {  	_ =	shalt  }
0x6b: {  	_ =	shalt  }
0x6c: {  	_ =	shalt  }
0x6d: {  	_ =	shalt  }
0x6e: {  	_ =	shalt  }
0x6f: {  	_ =	shalt  }
0x70: {  	_ =	shalt  }
0x71: {  	_ =	shalt  }
0x72: {  	_ =	shalt  }
0x73: {  	_ =	shalt  }
0x74: {  	_ =	shalt  }
0x75: {  	_ =	shalt  }
0x76: {  	_ =	shalt  }
0x77: {  	_ =	shalt  }
0x78: {  	_ =	shalt  }
0x79: {  	_ =	shalt  }
0x7a: {  	_ =	shalt  }
0x7b: {  	_ =	shalt  }
0x7c: {  	_ =	shalt  }
0x7d: {  	_ =	shalt  }
0x7e: {  	_ =	shalt  }
0x7f: {  	_ =	shalt  }
0x80: {  	_ =	shalt  }
0x81: {  	_ =	shalt  }
0x82: {  	_ =	shalt  }
0x83: {  	_ =	shalt  }
0x84: {  	_ =	shalt  }
0x85: {  	_ =	shalt  }
0x86: {  	_ =	shalt  }
0x87: {  	_ =	shalt  }
.Lfunc_end0:
.L_simem_size_0:
called_computation.3_lowered:
.L_overlay_start_0:
0x88: {  	s2 =	sld [smem:$0x3FD9]  }
0x89: {  	s3 =	sld [smem:$0x3FFE];
	_ =	sdelay $0x1  }
0x8a: {  	s1 =	srdreg.scid  }
0x8b: {  	s0 =	sand.u32 $0x1, s1  }
0x8c: {  	s17 =	sshll.u32 s0, $0xA;
	s2 =	sadd.s32 s3, s2  }
0x8d: {  	s2 =	sadd.s32 s2, s17  }
0x8e: {  	[smem:$0x3FC0] =	sst s2  }
0x8f: {  	_ = 	snop  }
0x90: {  	s2 =	sld [smem:$0x3FD0];
	(tm) =	ssettm $0x1  }
0x91: {  	s18 =	sld [smem:$0x3FFB];
	_ =	sdelay $0x3  }
0x92: {  	_ =	strace s18  }
0x93: {  	s3 =	sld [smem:$0x3FFC];
	_ =	sdelay $0x3  }
0x94: {  	_ =	strace s3  }
0x95: {  	s3 =	sld [smem:$0x3FFD];
	_ =	sdelay $0x3  }
0x96: {  	_ =	strace s3  }
0x97: {  	_ =	strace $0x8FFFFFFF  }
0x98: {  	s19 =	sld [smem:$0x3FDB];
	_ =	sdelay $0x1  }
0x99: {  	s4 =	simm.s32 $_scs_section_size  }
0x9a: {  	s5 =	simm.s32 $_size__tile_overlayer_lowered;
	s6 =	simm.s32 $_tile_overlayer_lowered  }
0x9b: {  	s22 =	simm.s32 $0x1BFF;
	s21 =	sshll.u32 s6, $0x1;
	s3 =	sadd.s32 s4, s19  }
0x9c: {  	s7 =	simm.s32 $0x0;
	s20 =	sshll.u32 s5, $0x1;
	s5 =	sadd.s32 s21, s3  }
0x9d: {  	[timem:s7], [sflag:s22] =	dma.local [hbm:s5], s20  }
0x9e: {  	_ =	swait.ge [sflag:s22], s20  }
0x9f: {  	s4 =	ssub.s32 $0x0, s20;
	[sflag:s22] =	ssyncset.done $0x0  }
0xa0: {  	[sflag:s22] =	ssyncadd.s32 s4;
	_ =	sdelay $0x1  }
0xa1: {  	s23 =	simm.s32 $0x1B8B  }
0xa2: {  	_ =	swait.ge [sflag:s23], $0x1  }
0xa3: {  	[sflag:s23] =	ssyncset.done $0x0  }
0xa4: {  	s25 =	simm.s32 $0x1B8E;
	s24 =	sld [smem:$0x3FFE];
	[sflag:s23] =	ssyncadd.s32 $0xFFFFFFFF  }
0xa5: {  	s26 =	simm.s32 $execute0_lowered;
	[smem:$0x3FD2] =	sst s25  }
0xa6: {  	s5 =	sshll.u32 s26, $0x1;
	_ =	strace $0x8000004F;
	[dreg:$0x1] =	wrdreg $0xFFFFFFFF  }
0xa7: {  	s28 =	simm.s32 $_size_execute0_lowered;
	s3 =	sadd.s32 s3, s5;
	[dreg:$0x0] =	wrdreg $0x0  }
0xa8: {  	s5 =	sshll.u32 s28, $0x1;
	[dreg:$0x2] =	wrdreg s3  }
0xa9: {  	[dreg:$0x3] =	wrdreg s5  }
0xaa: {  	[dreg:$0x4] =	wrdreg $0xC0  }
0xab: {  	_ =	task [dreg:s7], $0x5FFFF  }
0xac: {  	[dreg:$0x1] =	wrdreg $0xFFFFFFFF  }
0xad: {  	[dreg:$0x0] =	wrdreg $0x60  }
0xae: {  	[dreg:$0x2] =	wrdreg s2  }
0xaf: {  	[dreg:$0x3] =	wrdreg s24  }
0xb0: {  	[dreg:$0x4] =	wrdreg $0x50000  }
0xb1: {  	[dreg:$0x5] =	wrdreg $0x9  }
0xb2: {  	_ =	task.clear_ibuf [dreg:s7], $0x6FFFF;
	_ =	strace $0x9000004F  }
0xb3: {  	s29 =	simm.s32 $0x9;
	_ =	strace $0x80000051  }
0xb4: {  	_ =	swait.ge [sflag:s29], $0x1  }
0xb5: {  	[sflag:s29] =	ssyncadd.s32 $0xFFFFFFFF  }
0xb6: {  	_ =	strace $0x90000051  }
0xb7: {  	_ =	sfence  }
0xb8: {  	s30 =	sld [smem:$0x0];
	_ =	sdelay $0x2  }
0xb9: {  	s31 =	sshll.u32 s1, $0xD;
	s1 =	sshrl.u32 s1, $0x2  }
0xba: {  	s3 =	sand.u32 $0x4000, s31;
	s1 =	sadd.s32 s1, s30  }
0xbb: {  	s0 =	sor.u32 s3, s0;
	s1 =	sshll.u32 s1, $0x11  }
0xbc: {  	s0 =	sor.u32 s1, s0  }
0xbd: {  	s0 =	sadd.s32 $0x8F2B, s0  }
0xbe: {  	[sflag:s0] =	ssyncadd.remote.s32 $0x1  }
0xbf: {  	_ =	sfence.sel $0xFFFF  }
0xc0: {  	[dreg:$0x0] =	wrdreg $0xFFFFFFFF;
	(pc) =	sbr.abs _section_cstart, $3  }
0xc1: {  	[dreg:$0x1] =	wrdreg $0xFFFFFFFF  }
0xc2: {  	_ =	task.clear_ibuf [dreg:s7], $0x2FFFF;
	_ =	strace $0x9FFFFFFF  }
0xc3: {  	(tm) =	ssettm $0x7FFFFFFF  }
tec
execute0_lowered:
.L_overlay_start_1:
0x0: {  	(tag) =	ssettag $0x1  }
0x1: {  	s1 =	rddreg [dreg:$0x0]  }
0x2: {  	s7 =	rddreg [dreg:$0x1]  }
0x3: {  	s3 =	rddreg [dreg:$0x2]  }
0x4: {  	s0 =	rddreg [dreg:$0x3]  }
0x5: {  	s4 =	simm.s32 $0x0;
	s2 =	stileid.u32;
	s5 =	srdreg.scid  }
0x6: {  	s15 =	simm.s32 $0x7D;
	s16 =	simm.s32 $0x1000;
	s17 =	simm.s32 $0x1  }
0x7: {  	[smem:$0x7FF] =	sst s4;
	s8 =	smul.u32 $0x2800, s2;
	s9 =	sand.u32 $0x1, s5  }
0x8: {  	s5 =	sadd.s32 $0x2600, s7;
	s6 =	sadd.s32 $0xC600, s7;
	s12 =	smul.u32 $0x50000, s2  }
0x9: {  	s30 =	sshll.u32 s2, $0x6;
	s31 =	sshll.u32 s2, $0x1;
	_ =	strace $0x80000050  }
0xa: {  	s10 =	smul.u32 $0x28000, s9;
	s11 =	ssub.s32 $0x2, s9;
	s9 =	sor.u32 s9, s31  }
0xb: {  	s13 =	sadd.s32 s8, s7;
	s28 =	sshrl.u32 s11, $0x1;
	s29 =	sshrl.u32 s12, $0x2  }
0xc: {  	s9 =	smul.u32 $0x2800, s9;
	s8 =	sadd.s32 s8, s10;
	s11 =	ssub.s32 s11, s28  }
0xd: {  	s12 =	sadd.s32 s29, s3;
	s14 =	sadd.s32 s8, s7;
	s7 =	sadd.s32 $0x16600, s13  }
0xe: {  	s8 =	sor.u32 $0x1C02, s30;
	s11 =	smax.u32 s11, $0x1;
	s12 =	sshrl.u32 s12, $0x3  }
0xf: {  	s13 =	simm.s32 $0x2;
	s10 =	sadd.s32 $0x3E600, s14;
	s14 =	simm.s32 $0x800  }
.LBB2_1:
0x10: {  	[spmem:s12], [sflag:s8] =	dma.local [hbm:s7], $0x2800  }
0x11: {  	_ =	swait.ge [sflag:s13], $0x2800  }
0x12: {  	[sflag:s13] =	ssyncset.done $0x0  }
0x13: {  	[sflag:s13] =	ssyncadd.s32 $0xFFFFD800  }
0x14: {  	s18 =	simm.s32 $0x0;
	[bflag:$0x0] =	sbarrier.arrive $0xFFFF  }
.LBB2_2:
0x15: {  	s19 =	sshll.u32 s18, $0xB  }
0x16: {  	s19 =	sadd.s32 s9, s19  }
0x17: {  	s19 =	sshrl.u32 s19, $0x3  }
0x18: {  	s21 =	simm.s32 $0x0;
	s20 =	sadd.s32 s5, s19  }
0x19: {  	[tilespmem:s21], [sflag:$0x2] =	stream.linear.gather [hbm4b:s20+s21], $0x800, $0x38;
	[tilespmem:$0x19000] =	vst v63  }
0x1a: {  	_ =	swait.ge [sflag:s13], $0x800  }
0x1b: {  	[sflag:s13] =	ssyncset.done $0x0  }
0x1c: {  	s19 =	sadd.s32 s6, s19;
	[sflag:s13] =	ssyncadd.s32 $0xFFFFF800  }
0x1d: {  	[tilespmem:s14], [sflag:$0x2] =	stream.linear.gather [hbm4b:s19+s21], $0x800, $0x38;
	[tilespmem:$0x19000] =	vst v63  }
0x1e: {  	_ =	swait.ge [sflag:s13], $0x800  }
0x1f: {  	[sflag:s13] =	ssyncset.done $0x0  }
0x20: {  	s30 =	simm.s32 $0x0;
	[sflag:s13] =	ssyncadd.s32 $0xFFFFF800  }
0x21: {  	[tilespmem:s16], [sflag:$0x1] =	stream.indirect.gather [hbm4b:s1+s15], $0x80, s30, s15, $0xb8;
	[tilespmem:$0x19000] =	vst v63  }
0x22: {  	_ =	swait.ge [sflag:s17], $0x3E80  }
0x23: {  	[sflag:s17] =	ssyncset.done $0x0  }
0x24: {  	s31 =	simm.s32 $0x800;
	[sflag:s17] =	ssyncadd.s32 $0xFFFFC180  }
0x25: {  	[spmem:s3] =	stream.indirect.scatter.add.f32 [tilespmem:s16], [sflag:$0x2], $0x80, s31, s15, $0xb8;
	[tilespmem:$0x19000] =	vst v63  }
0x26: {  	_ =	swait.ge [sflag:s13], $0x3E80  }
0x27: {  	s20 =	simm.s32 $0x400;
	s19 =	simm.s32 $0x200;
	[sflag:s13] =	ssyncset.done $0x0  }
.LBB2_3:
0x28: {  	s21 =	sshra.s32 s19, $0x2  }
0x29: {  	[sflag:s13] =	ssyncadd.s32 $0xFFFFC180;
	s19 =	smov.u32 s20;
	s22 =	sadd.s32 $0x200, s20  }
0x2a: {  	[tilespmem:s16], [sflag:$0x1] =	stream.indirect.gather [hbm4b:s1+s15], $0x80, s21, s15, $0xb8;
	[tilespmem:$0x19000] =	vst v63  }
0x2b: {  	p0 =	sne.s32 s20, $0x1E00;
	_ =	swait.ge [sflag:s17], $0x3E80  }
.Ltmp0:
0x2c: {  	[sflag:s17] =	ssyncset.done $0x0;
	(pc) =	sbr.rel @p0 .LBB2_3-.Ltmp0, $4  }
0x2d: {  	s20 =	sadd.s32 $0x800, s21;
	[sflag:s17] =	ssyncadd.s32 $0xFFFFC180  }
0x2e: {  	[spmem:s3] =	stream.indirect.scatter.add.f32 [tilespmem:s16], [sflag:$0x2], $0x80, s20, s15, $0xb8;
	[tilespmem:$0x19000] =	vst v63  }
0x2f: {  	_ =	swait.ge [sflag:s13], $0x3E80  }
0x30: {  	s20 =	smov.u32 s22;
	[sflag:s13] =	ssyncset.done $0x0  }
0x31: {  	s19 =	sshra.s32 s19, $0x2;
	[sflag:s13] =	ssyncadd.s32 $0xFFFFC180  }
0x32: {  	[tilespmem:s16], [sflag:$0x1] =	stream.indirect.gather [hbm4b:s1+s15], $0x80, s19, s15, $0xb8;
	[tilespmem:$0x19000] =	vst v63  }
0x33: {  	s18 =	sadd.s32 $0x1, s18;
	_ =	swait.ge [sflag:s17], $0x3E80  }
0x34: {  	p0 =	sne.s32 s18, $0x5;
	[sflag:s17] =	ssyncset.done $0x0  }
.Ltmp1:
0x35: {  	s19 =	sadd.s32 $0x800, s19;
	[sflag:s17] =	ssyncadd.s32 $0xFFFFC180;
	(pc) =	sbr.rel @p0 .LBB2_2-.Ltmp1, $4  }
0x36: {  	[spmem:s3] =	stream.indirect.scatter.add.f32 [tilespmem:s16], [sflag:$0x2], $0x80, s19, s15, $0xb8;
	[tilespmem:$0x19000] =	vst v63  }
0x37: {  	_ =	swait.ge [sflag:s13], $0x3E80  }
0x38: {  	[sflag:s13] =	ssyncset.done $0x0  }
0x39: {  	[sflag:s13] =	ssyncadd.s32 $0xFFFFC180  }
0x3a: {  	s4 =	sadd.s32 $0x1, s4  }
0x3b: {  	p0 =	sne.s32 s4, s11  }
.Ltmp2:
0x3c: {  	[bflag:$0x0] =	sbarrier.arrive $0xFFFF;
	(pc) =	sbr.rel @p0 .LBB2_1-.Ltmp2, $4  }
0x3d: {  	[hbm:s10], [sflag:s8] =	dma.local [spmem:s12], $0x2800  }
0x3e: {  	_ =	swait.ge [sflag:s13], $0x2800  }
0x3f: {  	[sflag:s13] =	ssyncset.done $0x0  }
0x40: {  	[sflag:s13] =	ssyncadd.s32 $0xFFFFD800  }
0x41: {  	_ =	sfence.sel $0x180000  }
0x42: {  	[bflag:$0x0] =	sbarrier.arrive $0xFFFF  }
0x43: {  	p0 =	sne.s32 s2, $0x0;
	_ =	strace $0x90000050  }
0x44: {  	s0 =	sadd.s32 @!p0 $0x100000, s0;
	[bflag:$0x2] =	sbarrier.arrive $0xFFFF  }
0x45: {  	[sflag:s0] =	ssyncadd.tile.s32 @!p0 $0x1;
	_ =	shalt  }
.Lfunc_end2:
_tile_overlayer_lowered:
.L_overlay_start_2:
0x46: {  	(tag) =	ssettag $0x2  }
0x47: {  	s0 =	rddreg [dreg:$0x0];
	s2 =	stileid.u32  }
0x48: {  	s1 =	rddreg [dreg:$0x1];
	p0 =	sne.s32 s2, $0x0  }
0x49: {  	s3 =	rddreg [dreg:$0x2];
	[bflag:$0x3] =	sbarrier.arrive $0xFFFF;
	s2 =	simm.s32 @!p0 $0x1C02  }
0x4a: {  	[timem:s3], [sflag:s2] =	dma.local @!p0 [hbm:s0], s1  }
0x4b: {  	s0 =	simm.s32 @!p0 $0x2  }
0x4c: {  	_ =	swait.ge @!p0 [sflag:s0], s1  }
0x4d: {  	s1 =	ssub.s32 @!p0 $0x0, s1;
	[sflag:s0] =	ssyncset.done @!p0 $0x0  }
0x4e: {  	[sflag:s0] =	ssyncadd.s32 @!p0 s1  }
0x4f: {  	[bflag:$0x3] =	sbarrier.arrive $0xFFFF  }
0x50: {  	_ =	shalt  }

</sc_bundles>
